<compile_context>
chip_gen: v7x
topology: tpu7x:2x2x1
jax: 0.10.2.dev20260603
libtpu: 0.0.44.dev20260713+nightly
codegen_flags: <defaults>
</compile_context>

<pallas_src>
import jax
import jax.numpy as jnp
from jax import lax
from jax.experimental import pallas as pl
from jax.experimental.pallas import tpu as pltpu

_N = 20000
_K = 80
_M = 4096
_TOPK = 100
_IMG_W = 1333.0
_IMG_H = 800.0
_SCORE_THRESH = 0.05
_NMS_THRESH = 0.5
_OFFSET = 1334.0

_CH = 32
_NR = _M // 128


def _row_to_mat(x):
    return jnp.concatenate([x[:, 128 * a:128 * (a + 1)] for a in range(_NR)],
                           axis=0)


def _mat_to_row(x):
    return jnp.concatenate([x[a:a + 1, :] for a in range(_NR)], axis=1)


def _nms_body(cbT_ref, cbraw_ref, clsrow_ref, clscol_ref, srow_ref, scol_ref,
              out_ref, o_ref):
    f32 = jnp.float32
    i32 = jnp.int32

    offr = clsrow_ref[...] * _OFFSET
    x1r = jnp.clip(cbT_ref[pl.ds(0, 1), :], 0.0, _IMG_W) + offr
    y1r = jnp.clip(cbT_ref[pl.ds(1, 1), :], 0.0, _IMG_H) + offr
    x2r = jnp.clip(cbT_ref[pl.ds(2, 1), :], 0.0, _IMG_W) + offr
    y2r = jnp.clip(cbT_ref[pl.ds(3, 1), :], 0.0, _IMG_H) + offr
    arear = jnp.maximum(x2r - x1r, 0.0) * jnp.maximum(y2r - y1r, 0.0)

    icol = lax.broadcasted_iota(i32, (_CH, _M), 1)
    jrow = lax.broadcasted_iota(i32, (_CH, _M), 0)

    def build(c, _):
        offc = clscol_ref[pl.ds(c * _CH, _CH), pl.ds(0, 1)] * _OFFSET
        x1c = jnp.clip(cbraw_ref[pl.ds(c * _CH, _CH), pl.ds(0, 1)], 0.0, _IMG_W) + offc
        y1c = jnp.clip(cbraw_ref[pl.ds(c * _CH, _CH), pl.ds(1, 1)], 0.0, _IMG_H) + offc
        x2c = jnp.clip(cbraw_ref[pl.ds(c * _CH, _CH), pl.ds(2, 1)], 0.0, _IMG_W) + offc
        y2c = jnp.clip(cbraw_ref[pl.ds(c * _CH, _CH), pl.ds(3, 1)], 0.0, _IMG_H) + offc
        areac = jnp.maximum(x2c - x1c, 0.0) * jnp.maximum(y2c - y1c, 0.0)

        xx1 = jnp.maximum(x1c, x1r)
        yy1 = jnp.maximum(y1c, y1r)
        xx2 = jnp.minimum(x2c, x2r)
        yy2 = jnp.minimum(y2c, y2r)
        inter = jnp.maximum(xx2 - xx1, 0.0) * jnp.maximum(yy2 - yy1, 0.0)
        union = areac + arear - inter
        iou = inter / jnp.maximum(union, 1e-9)
        over = (iou > _NMS_THRESH) & ((c * _CH + jrow) < icol)
        o_ref[pl.ds(c * _CH, _CH), :] = jnp.where(over, 1.0, 0.0).astype(jnp.bfloat16)
        return 0

    lax.fori_loop(0, _M // _CH, build, 0)

    valid = jnp.where(srow_ref[...] > _SCORE_THRESH, 1.0, 0.0).astype(f32)

    def cond(carry):
        _, changed, it = carry
        return changed & (it < _M)

    def body(carry):
        kF, _, it = carry
        kB = kF.astype(jnp.bfloat16)

        s = jnp.zeros((1, _M), f32)
        for c in range(_NR):
            s = s + lax.dot_general(
                kB[:, 128 * c:128 * (c + 1)], o_ref[pl.ds(128 * c, 128), :],
                (((1,), (0,)), ((), ())), preferred_element_type=f32)
        newk = jnp.where((valid > 0.5) & (s < 0.5), 1.0, 0.0).astype(f32)
        changed = jnp.max(jnp.abs(newk - kF)) > 0.0
        return newk, changed, it + 1

    kF, _, _ = lax.while_loop(cond, body,
                              (valid, jnp.array(True), jnp.array(0, i32)))

    k2 = _row_to_mat(kF)
    c128 = k2
    sh = 1
    while sh < 128:
        c128 = c128 + jnp.concatenate(
            [jnp.zeros((_NR, sh), f32), c128[:, : 128 - sh]], axis=1)
        sh *= 2
    rowsum = jnp.sum(k2, axis=1, keepdims=True)
    inc = rowsum
    sh = 1
    while sh < _NR:
        inc = inc + jnp.concatenate(
            [jnp.zeros((sh, 1), f32), inc[: _NR - sh, :]], axis=0)
        sh *= 2
    r2 = c128 + (inc - rowsum)
    r_row = _mat_to_row(r2)

    srank = lax.broadcasted_iota(i32, (128, _M), 0)
    sel = jnp.where((kF > 0.5) & (r_row.astype(i32) == srank + 1),
                    1.0, 0.0).astype(f32)

    nx1 = jnp.clip(cbT_ref[pl.ds(0, 1), :], 0.0, _IMG_W)
    ny1 = jnp.clip(cbT_ref[pl.ds(1, 1), :], 0.0, _IMG_H)
    nx2 = jnp.clip(cbT_ref[pl.ds(2, 1), :], 0.0, _IMG_W)
    ny2 = jnp.clip(cbT_ref[pl.ds(3, 1), :], 0.0, _IMG_H)
    cols = []
    for val in (nx1, ny1, nx2, ny2, srow_ref[...]):
        cols.append(jnp.sum(sel * val, axis=1, keepdims=True))
    out_ref[...] = jnp.concatenate(cols + [jnp.zeros((128, 123), f32)], axis=1)


def _nms_select(cbT, cbraw, cls_row, cls_col, s_row, s_col):
    return pl.pallas_call(
        _nms_body,
        out_shape=jax.ShapeDtypeStruct((128, 128), jnp.float32),
        scratch_shapes=[pltpu.VMEM((_M, _M), jnp.bfloat16)],
        compiler_params=pltpu.CompilerParams(
            vmem_limit_bytes=100 * 1024 * 1024),
    )(cbT, cbraw, cls_row, cls_col, s_row, s_col)


def kernel(boxes, scores):
    sfg = scores[:, :-1]
    masked = jnp.where(sfg > _SCORE_THRESH, sfg, -1.0)
    cand_scores, cand_idx = lax.top_k(masked.reshape(-1), _M)
    box_idx = cand_idx // _K
    cls = (cand_idx % _K).astype(jnp.float32)
    cbraw = jnp.take(boxes, box_idx, axis=0)

    out = _nms_select(
        cbraw.T,
        cbraw,
        cls.reshape(1, _M),
        cls.reshape(_M, 1),
        cand_scores.reshape(1, _M),
        cand_scores.reshape(_M, 1),
    )
    return out[:_TOPK, :5]

# --- scband reference (transcript-rebuilt; emitter-appended) ---
"""Pipeline reference for scband-jtsmoutput-layers-7499012898932 (READ-ONLY COPY).

The authoritative reference and input builder live on the scoring server;
editing this copy changes nothing except your own understanding.
"""

import jax, jax.numpy as jnp
import numpy as np

N = 20000          # proposals per image
K = 80             # foreground classes (last score column = background)
M = 4096           # pre-NMS candidate cap (fixed shape for tracing)
TOPK = 100         # test_topk_per_image
IMG_W = 1333.0
IMG_H = 800.0
SCORE_THRESH = 0.05
NMS_THRESH = 0.5


def setup_inputs(seed: int = 0) -> dict:
    key = jax.random.key(seed)
    kc, kw, ks = jax.random.split(key, 3)
    ctr = jax.random.uniform(kc, (N, 2), dtype=jnp.float32) * jnp.array([IMG_W, IMG_H], dtype=jnp.float32)
    wh = jax.random.uniform(kw, (N, 2), dtype=jnp.float32) * 180.0 + 8.0
    x1y1 = ctr - wh / 2.0
    x2y2 = ctr + wh / 2.0
    boxes = jnp.concatenate([x1y1, x2y2], axis=1).astype(jnp.float32)
    scores = jax.random.uniform(ks, (N, K + 1), dtype=jnp.float32)
    return {"boxes": boxes, "scores": scores}


def _pairwise_iou(b):
    x1, y1, x2, y2 = b[:, 0], b[:, 1], b[:, 2], b[:, 3]
    area = jnp.maximum(x2 - x1, 0.0) * jnp.maximum(y2 - y1, 0.0)
    xx1 = jnp.maximum(x1[:, None], x1[None, :])
    yy1 = jnp.maximum(y1[:, None], y1[None, :])
    xx2 = jnp.minimum(x2[:, None], x2[None, :])
    yy2 = jnp.minimum(y2[:, None], y2[None, :])
    iw = jnp.maximum(xx2 - xx1, 0.0)
    ih = jnp.maximum(yy2 - yy1, 0.0)
    inter = iw * ih
    union = area[:, None] + area[None, :] - inter
    return inter / jnp.maximum(union, 1e-9)


def _forward(boxes, scores):
    # fast_rcnn_inference_single_image: drop background column, clip boxes to image,
    # score-threshold, class-aware (offset) greedy NMS, keep topk_per_image.
    sfg = scores[:, :-1]  # [N, K] foreground scores
    bx = jnp.concatenate([
        jnp.clip(boxes[:, 0:1], 0.0, IMG_W),
        jnp.clip(boxes[:, 1:2], 0.0, IMG_H),
        jnp.clip(boxes[:, 2:3], 0.0, IMG_W),
        jnp.clip(boxes[:, 3:4], 0.0, IMG_H),
    ], axis=1)
    masked = jnp.where(sfg > SCORE_THRESH, sfg, -1.0)
    flat = masked.reshape(-1)  # [N*K]
    cand_scores, cand_idx = jax.lax.top_k(flat, M)
    box_idx = cand_idx // K
    cls = cand_idx % K
    cb = jnp.take(bx, box_idx, axis=0)  # [M, 4] class-agnostic regression
    valid = cand_scores > SCORE_THRESH
    # batched_nms trick: offset each class into a disjoint coordinate range
    offset = cls.astype(jnp.float32) * (jnp.maximum(IMG_W, IMG_H) + 1.0)
    ob = cb + offset[:, None]
    iou = jax.lax.stop_gradient(_pairwise_iou(ob))  # [M, M]
    idxs = jnp.arange(M)
    def body(i, keep):
        sup = (iou[i] > NMS_THRESH) & (idxs > i) & keep[i]
        return keep & (~sup)
    keep = jax.lax.fori_loop(0, M, body, valid)
    kept_scores = jnp.where(keep, cand_scores, -1.0)
    top_scores, top_i = jax.lax.top_k(kept_scores, TOPK)
    out_boxes = jnp.take(cb, top_i, axis=0)
    fvalid = (top_scores > SCORE_THRESH)[:, None]
    dets = jnp.concatenate([out_boxes, top_scores[:, None]], axis=1)  # [TOPK, 5]
    dets = jnp.where(fvalid, dets, 0.0)
    return dets


def reference(boxes, scores):
    return _forward(boxes, scores)

if __name__ == "__main__":
    import jax
    _d = setup_inputs()
    print(jax.jit(kernel)(*tuple(_d.values())))

</pallas_src>

<mosaic_0001>
module attributes {stable_mosaic.version = 14 : i64} {
  func.func @_nms_body(%arg0: memref<4x4096xf32, #tpu.memory_space<vmem>>, %arg1: memref<4096x4xf32, #tpu.memory_space<vmem>>, %arg2: memref<1x4096xf32, #tpu.memory_space<vmem>>, %arg3: memref<4096x1xf32, #tpu.memory_space<vmem>>, %arg4: memref<1x4096xf32, #tpu.memory_space<vmem>>, %arg5: memref<4096x1xf32, #tpu.memory_space<vmem>>, %arg6: memref<128x128xf32, #tpu.memory_space<vmem>>, %arg7: memref<4096x4096xbf16, #tpu.memory_space<vmem>>) attributes {dimension_semantics = [], scalar_prefetch = 0 : i64, scratch_operands = 1 : i64, tpu.core_type = #tpu.core_type<tc>} {
    %get3A = arith.constant 0 : index
    %get3A_0 = arith.constant 0 : index
    %get3A_1 = vector.load %arg2[%get3A, %get3A_0] : memref<1x4096xf32, #tpu.memory_space<vmem>>, vector<1x4096xf32>
    %mul3A = arith.constant 1.334000e+03 : f32
    %mul3A_2 = vector.broadcast %mul3A : f32 to vector<1x4096xf32>
    %mul3A_3 = arith.mulf %get3A_1, %mul3A_2 : vector<1x4096xf32>
    %get3A_4 = arith.constant 0 : index
    %get3A_5 = arith.constant 0 : index
    %get3A_6 = vector.load %arg0[%get3A_4, %get3A_5] : memref<4x4096xf32, #tpu.memory_space<vmem>>, vector<1x4096xf32>
    %jit3A = arith.constant 0.000000e+00 : f32
    %jit3A_7 = arith.constant 1.333000e+03 : f32
    %max3A = vector.broadcast %jit3A : f32 to vector<1x4096xf32>
    %max3A_8 = arith.maximumf %max3A, %get3A_6 : vector<1x4096xf32>
    %min3A = vector.broadcast %jit3A_7 : f32 to vector<1x4096xf32>
    %min3A_9 = arith.minimumf %min3A, %max3A_8 : vector<1x4096xf32>
    %add3A = arith.addf %min3A_9, %mul3A_3 : vector<1x4096xf32>
    %get3A_10 = arith.constant 1 : index
    %get3A_11 = arith.constant 0 : index
    %get3A_12 = vector.load %arg0[%get3A_10, %get3A_11] : memref<4x4096xf32, #tpu.memory_space<vmem>>, vector<1x4096xf32>
    %jit3A_13 = arith.constant 0.000000e+00 : f32
    %jit3A_14 = arith.constant 8.000000e+02 : f32
    %max3A_15 = vector.broadcast %jit3A_13 : f32 to vector<1x4096xf32>
    %max3A_16 = arith.maximumf %max3A_15, %get3A_12 : vector<1x4096xf32>
    %min3A_17 = vector.broadcast %jit3A_14 : f32 to vector<1x4096xf32>
    %min3A_18 = arith.minimumf %min3A_17, %max3A_16 : vector<1x4096xf32>
    %add3A_19 = arith.addf %min3A_18, %mul3A_3 : vector<1x4096xf32>
    %get3A_20 = arith.constant 2 : index
    %get3A_21 = arith.constant 0 : index
    %get3A_22 = vector.load %arg0[%get3A_20, %get3A_21] : memref<4x4096xf32, #tpu.memory_space<vmem>>, vector<1x4096xf32>
    %jit3A_23 = arith.constant 0.000000e+00 : f32
    %jit3A_24 = arith.constant 1.333000e+03 : f32
    %max3A_25 = vector.broadcast %jit3A_23 : f32 to vector<1x4096xf32>
    %max3A_26 = arith.maximumf %max3A_25, %get3A_22 : vector<1x4096xf32>
    %min3A_27 = vector.broadcast %jit3A_24 : f32 to vector<1x4096xf32>
    %min3A_28 = arith.minimumf %min3A_27, %max3A_26 : vector<1x4096xf32>
    %add3A_29 = arith.addf %min3A_28, %mul3A_3 : vector<1x4096xf32>
    %get3A_30 = arith.constant 3 : index
    %get3A_31 = arith.constant 0 : index
    %get3A_32 = vector.load %arg0[%get3A_30, %get3A_31] : memref<4x4096xf32, #tpu.memory_space<vmem>>, vector<1x4096xf32>
    %jit3A_33 = arith.constant 0.000000e+00 : f32
    %jit3A_34 = arith.constant 8.000000e+02 : f32
    %max3A_35 = vector.broadcast %jit3A_33 : f32 to vector<1x4096xf32>
    %max3A_36 = arith.maximumf %max3A_35, %get3A_32 : vector<1x4096xf32>
    %min3A_37 = vector.broadcast %jit3A_34 : f32 to vector<1x4096xf32>
    %min3A_38 = arith.minimumf %min3A_37, %max3A_36 : vector<1x4096xf32>
    %add3A_39 = arith.addf %min3A_38, %mul3A_3 : vector<1x4096xf32>
    %sub3A = arith.subf %add3A_29, %add3A : vector<1x4096xf32>
    %max3A_40 = arith.constant 0.000000e+00 : f32
    %max3A_41 = vector.broadcast %max3A_40 : f32 to vector<1x4096xf32>
    %max3A_42 = arith.maximumf %sub3A, %max3A_41 : vector<1x4096xf32>
    %sub3A_43 = arith.subf %add3A_39, %add3A_19 : vector<1x4096xf32>
    %max3A_44 = arith.constant 0.000000e+00 : f32
    %max3A_45 = vector.broadcast %max3A_44 : f32 to vector<1x4096xf32>
    %max3A_46 = arith.maximumf %sub3A_43, %max3A_45 : vector<1x4096xf32>
    %mul3A_47 = arith.mulf %max3A_42, %max3A_46 : vector<1x4096xf32>
    %iota3A = tpu.iota {dimensions = array<i32: 1>} : vector<32x4096xi32>
    %iota3A_48 = tpu.iota {dimensions = array<i32: 0>} : vector<32x4096xi32>
    %scan3A = arith.constant 0 : i32
    %scan3A_49 = arith.constant 128 : i32
    %scan3A_50 = arith.addi %scan3A, %scan3A_49 : i32
    %scan3A_51 = arith.constant 1 : i32
    scf.for %scan3A_275 = %scan3A to %scan3A_50 step %scan3A_51  : i32 {
      %mul3A_276 = arith.constant 32 : i32
      %mul3A_277 = arith.muli %scan3A_275, %mul3A_276 : i32
      %get3A_278 = arith.index_cast %mul3A_277 : i32 to index
      %get3A_279 = arith.constant 0 : index
      %get3A_280 = vector.load %arg3[%get3A_278, %get3A_279] : memref<4096x1xf32, #tpu.memory_space<vmem>>, vector<32x1xf32>
      %mul3A_281 = arith.constant 1.334000e+03 : f32
      %mul3A_282 = vector.broadcast %mul3A_281 : f32 to vector<32x1xf32>
      %mul3A_283 = arith.mulf %get3A_280, %mul3A_282 : vector<32x1xf32>
      %mul3A_284 = arith.constant 32 : i32
      %mul3A_285 = arith.muli %scan3A_275, %mul3A_284 : i32
      %get3A_286 = arith.index_cast %mul3A_285 : i32 to index
      %get3A_287 = arith.constant 0 : index
      %get3A_288 = vector.load %arg1[%get3A_286, %get3A_287] : memref<4096x4xf32, #tpu.memory_space<vmem>>, vector<32x1xf32>
      %jit3A_289 = arith.constant 0.000000e+00 : f32
      %jit3A_290 = arith.constant 1.333000e+03 : f32
      %max3A_291 = vector.broadcast %jit3A_289 : f32 to vector<32x1xf32>
      %max3A_292 = arith.maximumf %max3A_291, %get3A_288 : vector<32x1xf32>
      %min3A_293 = vector.broadcast %jit3A_290 : f32 to vector<32x1xf32>
      %min3A_294 = arith.minimumf %min3A_293, %max3A_292 : vector<32x1xf32>
      %add3A_295 = arith.addf %min3A_294, %mul3A_283 : vector<32x1xf32>
      %mul3A_296 = arith.constant 32 : i32
      %mul3A_297 = arith.muli %scan3A_275, %mul3A_296 : i32
      %get3A_298 = arith.index_cast %mul3A_297 : i32 to index
      %get3A_299 = arith.constant 1 : index
      %get3A_300 = vector.load %arg1[%get3A_298, %get3A_299] : memref<4096x4xf32, #tpu.memory_space<vmem>>, vector<32x1xf32>
      %jit3A_301 = arith.constant 0.000000e+00 : f32
      %jit3A_302 = arith.constant 8.000000e+02 : f32
      %max3A_303 = vector.broadcast %jit3A_301 : f32 to vector<32x1xf32>
      %max3A_304 = arith.maximumf %max3A_303, %get3A_300 : vector<32x1xf32>
      %min3A_305 = vector.broadcast %jit3A_302 : f32 to vector<32x1xf32>
      %min3A_306 = arith.minimumf %min3A_305, %max3A_304 : vector<32x1xf32>
      %add3A_307 = arith.addf %min3A_306, %mul3A_283 : vector<32x1xf32>
      %mul3A_308 = arith.constant 32 : i32
      %mul3A_309 = arith.muli %scan3A_275, %mul3A_308 : i32
      %get3A_310 = arith.index_cast %mul3A_309 : i32 to index
      %get3A_311 = arith.constant 2 : index
      %get3A_312 = vector.load %arg1[%get3A_310, %get3A_311] : memref<4096x4xf32, #tpu.memory_space<vmem>>, vector<32x1xf32>
      %jit3A_313 = arith.constant 0.000000e+00 : f32
      %jit3A_314 = arith.constant 1.333000e+03 : f32
      %max3A_315 = vector.broadcast %jit3A_313 : f32 to vector<32x1xf32>
      %max3A_316 = arith.maximumf %max3A_315, %get3A_312 : vector<32x1xf32>
      %min3A_317 = vector.broadcast %jit3A_314 : f32 to vector<32x1xf32>
      %min3A_318 = arith.minimumf %min3A_317, %max3A_316 : vector<32x1xf32>
      %add3A_319 = arith.addf %min3A_318, %mul3A_283 : vector<32x1xf32>
      %mul3A_320 = arith.constant 32 : i32
      %mul3A_321 = arith.muli %scan3A_275, %mul3A_320 : i32
      %get3A_322 = arith.index_cast %mul3A_321 : i32 to index
      %get3A_323 = arith.constant 3 : index
      %get3A_324 = vector.load %arg1[%get3A_322, %get3A_323] : memref<4096x4xf32, #tpu.memory_space<vmem>>, vector<32x1xf32>
      %jit3A_325 = arith.constant 0.000000e+00 : f32
      %jit3A_326 = arith.constant 8.000000e+02 : f32
      %max3A_327 = vector.broadcast %jit3A_325 : f32 to vector<32x1xf32>
      %max3A_328 = arith.maximumf %max3A_327, %get3A_324 : vector<32x1xf32>
      %min3A_329 = vector.broadcast %jit3A_326 : f32 to vector<32x1xf32>
      %min3A_330 = arith.minimumf %min3A_329, %max3A_328 : vector<32x1xf32>
      %add3A_331 = arith.addf %min3A_330, %mul3A_283 : vector<32x1xf32>
      %sub3A_332 = arith.subf %add3A_319, %add3A_295 : vector<32x1xf32>
      %max3A_333 = arith.constant 0.000000e+00 : f32
      %max3A_334 = vector.broadcast %max3A_333 : f32 to vector<32x1xf32>
      %max3A_335 = arith.maximumf %sub3A_332, %max3A_334 : vector<32x1xf32>
      %sub3A_336 = arith.subf %add3A_331, %add3A_307 : vector<32x1xf32>
      %max3A_337 = arith.constant 0.000000e+00 : f32
      %max3A_338 = vector.broadcast %max3A_337 : f32 to vector<32x1xf32>
      %max3A_339 = arith.maximumf %sub3A_336, %max3A_338 : vector<32x1xf32>
      %mul3A_340 = arith.mulf %max3A_335, %max3A_339 : vector<32x1xf32>
      %max3A_341 = vector.broadcast %add3A_295 : vector<32x1xf32> to vector<32x4096xf32>
      %max3A_342 = vector.broadcast %add3A : vector<1x4096xf32> to vector<32x4096xf32>
      %max3A_343 = arith.maximumf %max3A_341, %max3A_342 : vector<32x4096xf32>
      %max3A_344 = vector.broadcast %add3A_307 : vector<32x1xf32> to vector<32x4096xf32>
      %max3A_345 = vector.broadcast %add3A_19 : vector<1x4096xf32> to vector<32x4096xf32>
      %max3A_346 = arith.maximumf %max3A_344, %max3A_345 : vector<32x4096xf32>
      %min3A_347 = vector.broadcast %add3A_319 : vector<32x1xf32> to vector<32x4096xf32>
      %min3A_348 = vector.broadcast %add3A_29 : vector<1x4096xf32> to vector<32x4096xf32>
      %min3A_349 = arith.minimumf %min3A_347, %min3A_348 : vector<32x4096xf32>
      %min3A_350 = vector.broadcast %add3A_331 : vector<32x1xf32> to vector<32x4096xf32>
      %min3A_351 = vector.broadcast %add3A_39 : vector<1x4096xf32> to vector<32x4096xf32>
      %min3A_352 = arith.minimumf %min3A_350, %min3A_351 : vector<32x4096xf32>
      %sub3A_353 = arith.subf %min3A_349, %max3A_343 : vector<32x4096xf32>
      %max3A_354 = arith.constant 0.000000e+00 : f32
      %max3A_355 = vector.broadcast %max3A_354 : f32 to vector<32x4096xf32>
      %max3A_356 = arith.maximumf %sub3A_353, %max3A_355 : vector<32x4096xf32>
      %sub3A_357 = arith.subf %min3A_352, %max3A_346 : vector<32x4096xf32>
      %max3A_358 = arith.constant 0.000000e+00 : f32
      %max3A_359 = vector.broadcast %max3A_358 : f32 to vector<32x4096xf32>
      %max3A_360 = arith.maximumf %sub3A_357, %max3A_359 : vector<32x4096xf32>
      %mul3A_361 = arith.mulf %max3A_356, %max3A_360 : vector<32x4096xf32>
      %add3A_362 = vector.broadcast %mul3A_340 : vector<32x1xf32> to vector<32x4096xf32>
      %add3A_363 = vector.broadcast %mul3A_47 : vector<1x4096xf32> to vector<32x4096xf32>
      %add3A_364 = arith.addf %add3A_362, %add3A_363 : vector<32x4096xf32>
      %sub3A_365 = arith.subf %add3A_364, %mul3A_361 : vector<32x4096xf32>
      %max3A_366 = arith.constant 9.99999971E-10 : f32
      %max3A_367 = vector.broadcast %max3A_366 : f32 to vector<32x4096xf32>
      %max3A_368 = arith.maximumf %sub3A_365, %max3A_367 : vector<32x4096xf32>
      %div3A = arith.divf %mul3A_361, %max3A_368 : vector<32x4096xf32>
      %gt3A_369 = arith.constant 5.000000e-01 : f32
      %gt3A_370 = vector.broadcast %gt3A_369 : f32 to vector<32x4096xf32>
      %gt3A_371 = arith.cmpf ogt, %div3A, %gt3A_370 : vector<32x4096xf32>
      %mul3A_372 = arith.constant 32 : i32
      %mul3A_373 = arith.muli %scan3A_275, %mul3A_372 : i32
      %add3A_374 = vector.broadcast %mul3A_373 : i32 to vector<32x4096xi32>
      %add3A_375 = arith.addi %add3A_374, %iota3A_48 : vector<32x4096xi32>
      %lt3A = arith.cmpi slt, %add3A_375, %iota3A : vector<32x4096xi32>
      %and3A_376 = arith.andi %gt3A_371, %lt3A : vector<32x4096xi1>
      %jit3A_377 = arith.constant 1.000000e+00 : f32
      %jit3A_378 = arith.constant 0.000000e+00 : f32
      %broadcast_in_dim3A_379 = vector.broadcast %jit3A_377 : f32 to vector<32x4096xf32>
      %broadcast_in_dim3A_380 = vector.broadcast %jit3A_378 : f32 to vector<32x4096xf32>
      %select_n3A_381 = arith.select %and3A_376, %broadcast_in_dim3A_379, %broadcast_in_dim3A_380 : vector<32x4096xi1>, vector<32x4096xf32>
      %convert_element_type3A_382 = arith.truncf %select_n3A_381 : vector<32x4096xf32> to vector<32x4096xbf16>
      %mul3A_383 = arith.constant 32 : i32
      %mul3A_384 = arith.muli %scan3A_275, %mul3A_383 : i32
      %swap3A_385 = arith.index_cast %mul3A_384 : i32 to index
      %swap3A_386 = arith.constant 0 : index
      %swap3A_387 = vector.load %arg7[%swap3A_385, %swap3A_386] : memref<4096x4096xbf16, #tpu.memory_space<vmem>>, vector<32x4096xbf16>
      tpu.vector_store %arg7[%swap3A_385, %swap3A_386], %convert_element_type3A_382 {strides = array<i32>} : memref<4096x4096xbf16, #tpu.memory_space<vmem>>, vector<32x4096xbf16>,
    }
    %scan3A_52 = arith.constant 128 : i32
    %get3A_53 = arith.constant 0 : index
    %get3A_54 = arith.constant 0 : index
    %get3A_55 = vector.load %arg4[%get3A_53, %get3A_54] : memref<1x4096xf32, #tpu.memory_space<vmem>>, vector<1x4096xf32>
    %gt3A = arith.constant 5.000000e-02 : f32
    %gt3A_56 = vector.broadcast %gt3A : f32 to vector<1x4096xf32>
    %gt3A_57 = arith.cmpf ogt, %get3A_55, %gt3A_56 : vector<1x4096xf32>
    %jit3A_58 = arith.constant 1.000000e+00 : f32
    %jit3A_59 = arith.constant 0.000000e+00 : f32
    %broadcast_in_dim3A = vector.broadcast %jit3A_58 : f32 to vector<1x4096xf32>
    %broadcast_in_dim3A_60 = vector.broadcast %jit3A_59 : f32 to vector<1x4096xf32>
    %select_n3A = arith.select %gt3A_57, %broadcast_in_dim3A, %broadcast_in_dim3A_60 : vector<1x4096xi1>, vector<1x4096xf32>
    %while3A = arith.constant true
    %while3A_61 = arith.constant 0 : i32
    %while3A_62:3 = scf.while (%while3A_275 = %select_n3A, %while3A_276 = %while3A, %while3A_277 = %while3A_61) : (vector<1x4096xf32>, i1, i32) -> (vector<1x4096xf32>, i1, i32) {
      %lt3A = arith.constant 4096 : i32
      %lt3A_278 = arith.cmpi slt, %while3A_277, %lt3A : i32
      %and3A_279 = arith.andi %while3A_276, %lt3A_278 : i1
      scf.condition(%and3A_279) %while3A_275, %while3A_276, %while3A_277 : vector<1x4096xf32>, i1, i32
    } do {
    ^bb0(%while3A_275: vector<1x4096xf32>, %while3A_276: i1, %while3A_277: i32):
      %convert_element_type3A_278 = arith.truncf %while3A_275 : vector<1x4096xf32> to vector<1x4096xbf16>
      %broadcast_in_dim3A_279 = arith.constant 0.000000e+00 : f32
      %broadcast_in_dim3A_280 = vector.broadcast %broadcast_in_dim3A_279 : f32 to vector<1x4096xf32>
      %slice3A_281 = vector.extract_strided_slice %convert_element_type3A_278 {offsets = [0, 0], sizes = [1, 128], strides = [1, 1]} : vector<1x4096xbf16> to vector<1x128xbf16>
      %get3A_282 = arith.constant 0 : index
      %get3A_283 = arith.constant 0 : index
      %get3A_284 = vector.load %arg7[%get3A_282, %get3A_283] : memref<4096x4096xbf16, #tpu.memory_space<vmem>>, vector<128x4096xbf16>
      %dot_general3A = arith.constant dense<0.000000e+00> : vector<1x4096xf32>
      %dot_general3A_285 = tpu.matmul %slice3A_281, %get3A_284, %dot_general3A {dimension_numbers = #tpu.dot_dimension_numbers<[1], [0], [0], [1], [0, 0, 1, 1], [], []>, transpose_lhs_hint = false} : vector<1x128xbf16>, vector<128x4096xbf16>, vector<1x4096xf32> -> vector<1x4096xf32>
      %add3A_286 = arith.addf %broadcast_in_dim3A_280, %dot_general3A_285 : vector<1x4096xf32>
      %slice3A_287 = vector.extract_strided_slice %convert_element_type3A_278 {offsets = [0, 128], sizes = [1, 128], strides = [1, 1]} : vector<1x4096xbf16> to vector<1x128xbf16>
      %get3A_288 = arith.constant 128 : index
      %get3A_289 = arith.constant 0 : index
      %get3A_290 = vector.load %arg7[%get3A_288, %get3A_289] : memref<4096x4096xbf16, #tpu.memory_space<vmem>>, vector<128x4096xbf16>
      %dot_general3A_291 = arith.constant dense<0.000000e+00> : vector<1x4096xf32>
      %dot_general3A_292 = tpu.matmul %slice3A_287, %get3A_290, %dot_general3A_291 {dimension_numbers = #tpu.dot_dimension_numbers<[1], [0], [0], [1], [0, 0, 1, 1], [], []>, transpose_lhs_hint = false} : vector<1x128xbf16>, vector<128x4096xbf16>, vector<1x4096xf32> -> vector<1x4096xf32>
      %add3A_293 = arith.addf %add3A_286, %dot_general3A_292 : vector<1x4096xf32>
      %slice3A_294 = vector.extract_strided_slice %convert_element_type3A_278 {offsets = [0, 256], sizes = [1, 128], strides = [1, 1]} : vector<1x4096xbf16> to vector<1x128xbf16>
      %get3A_295 = arith.constant 256 : index
      %get3A_296 = arith.constant 0 : index
      %get3A_297 = vector.load %arg7[%get3A_295, %get3A_296] : memref<4096x4096xbf16, #tpu.memory_space<vmem>>, vector<128x4096xbf16>
      %dot_general3A_298 = arith.constant dense<0.000000e+00> : vector<1x4096xf32>
      %dot_general3A_299 = tpu.matmul %slice3A_294, %get3A_297, %dot_general3A_298 {dimension_numbers = #tpu.dot_dimension_numbers<[1], [0], [0], [1], [0, 0, 1, 1], [], []>, transpose_lhs_hint = false} : vector<1x128xbf16>, vector<128x4096xbf16>, vector<1x4096xf32> -> vector<1x4096xf32>
      %add3A_300 = arith.addf %add3A_293, %dot_general3A_299 : vector<1x4096xf32>
      %slice3A_301 = vector.extract_strided_slice %convert_element_type3A_278 {offsets = [0, 384], sizes = [1, 128], strides = [1, 1]} : vector<1x4096xbf16> to vector<1x128xbf16>
      %get3A_302 = arith.constant 384 : index
      %get3A_303 = arith.constant 0 : index
      %get3A_304 = vector.load %arg7[%get3A_302, %get3A_303] : memref<4096x4096xbf16, #tpu.memory_space<vmem>>, vector<128x4096xbf16>
      %dot_general3A_305 = arith.constant dense<0.000000e+00> : vector<1x4096xf32>
      %dot_general3A_306 = tpu.matmul %slice3A_301, %get3A_304, %dot_general3A_305 {dimension_numbers = #tpu.dot_dimension_numbers<[1], [0], [0], [1], [0, 0, 1, 1], [], []>, transpose_lhs_hint = false} : vector<1x128xbf16>, vector<128x4096xbf16>, vector<1x4096xf32> -> vector<1x4096xf32>
      %add3A_307 = arith.addf %add3A_300, %dot_general3A_306 : vector<1x4096xf32>
      %slice3A_308 = vector.extract_strided_slice %convert_element_type3A_278 {offsets = [0, 512], sizes = [1, 128], strides = [1, 1]} : vector<1x4096xbf16> to vector<1x128xbf16>
      %get3A_309 = arith.constant 512 : index
      %get3A_310 = arith.constant 0 : index
      %get3A_311 = vector.load %arg7[%get3A_309, %get3A_310] : memref<4096x4096xbf16, #tpu.memory_space<vmem>>, vector<128x4096xbf16>
      %dot_general3A_312 = arith.constant dense<0.000000e+00> : vector<1x4096xf32>
      %dot_general3A_313 = tpu.matmul %slice3A_308, %get3A_311, %dot_general3A_312 {dimension_numbers = #tpu.dot_dimension_numbers<[1], [0], [0], [1], [0, 0, 1, 1], [], []>, transpose_lhs_hint = false} : vector<1x128xbf16>, vector<128x4096xbf16>, vector<1x4096xf32> -> vector<1x4096xf32>
      %add3A_314 = arith.addf %add3A_307, %dot_general3A_313 : vector<1x4096xf32>
      %slice3A_315 = vector.extract_strided_slice %convert_element_type3A_278 {offsets = [0, 640], sizes = [1, 128], strides = [1, 1]} : vector<1x4096xbf16> to vector<1x128xbf16>
      %get3A_316 = arith.constant 640 : index
      %get3A_317 = arith.constant 0 : index
      %get3A_318 = vector.load %arg7[%get3A_316, %get3A_317] : memref<4096x4096xbf16, #tpu.memory_space<vmem>>, vector<128x4096xbf16>
      %dot_general3A_319 = arith.constant dense<0.000000e+00> : vector<1x4096xf32>
      %dot_general3A_320 = tpu.matmul %slice3A_315, %get3A_318, %dot_general3A_319 {dimension_numbers = #tpu.dot_dimension_numbers<[1], [0], [0], [1], [0, 0, 1, 1], [], []>, transpose_lhs_hint = false} : vector<1x128xbf16>, vector<128x4096xbf16>, vector<1x4096xf32> -> vector<1x4096xf32>
      %add3A_321 = arith.addf %add3A_314, %dot_general3A_320 : vector<1x4096xf32>
      %slice3A_322 = vector.extract_strided_slice %convert_element_type3A_278 {offsets = [0, 768], sizes = [1, 128], strides = [1, 1]} : vector<1x4096xbf16> to vector<1x128xbf16>
      %get3A_323 = arith.constant 768 : index
      %get3A_324 = arith.constant 0 : index
      %get3A_325 = vector.load %arg7[%get3A_323, %get3A_324] : memref<4096x4096xbf16, #tpu.memory_space<vmem>>, vector<128x4096xbf16>
      %dot_general3A_326 = arith.constant dense<0.000000e+00> : vector<1x4096xf32>
      %dot_general3A_327 = tpu.matmul %slice3A_322, %get3A_325, %dot_general3A_326 {dimension_numbers = #tpu.dot_dimension_numbers<[1], [0], [0], [1], [0, 0, 1, 1], [], []>, transpose_lhs_hint = false} : vector<1x128xbf16>, vector<128x4096xbf16>, vector<1x4096xf32> -> vector<1x4096xf32>
      %add3A_328 = arith.addf %add3A_321, %dot_general3A_327 : vector<1x4096xf32>
      %slice3A_329 = vector.extract_strided_slice %convert_element_type3A_278 {offsets = [0, 896], sizes = [1, 128], strides = [1, 1]} : vector<1x4096xbf16> to vector<1x128xbf16>
      %get3A_330 = arith.constant 896 : index
      %get3A_331 = arith.constant 0 : index
      %get3A_332 = vector.load %arg7[%get3A_330, %get3A_331] : memref<4096x4096xbf16, #tpu.memory_space<vmem>>, vector<128x4096xbf16>
      %dot_general3A_333 = arith.constant dense<0.000000e+00> : vector<1x4096xf32>
      %dot_general3A_334 = tpu.matmul %slice3A_329, %get3A_332, %dot_general3A_333 {dimension_numbers = #tpu.dot_dimension_numbers<[1], [0], [0], [1], [0, 0, 1, 1], [], []>, transpose_lhs_hint = false} : vector<1x128xbf16>, vector<128x4096xbf16>, vector<1x4096xf32> -> vector<1x4096xf32>
      %add3A_335 = arith.addf %add3A_328, %dot_general3A_334 : vector<1x4096xf32>
      %slice3A_336 = vector.extract_strided_slice %convert_element_type3A_278 {offsets = [0, 1024], sizes = [1, 128], strides = [1, 1]} : vector<1x4096xbf16> to vector<1x128xbf16>
      %get3A_337 = arith.constant 1024 : index
      %get3A_338 = arith.constant 0 : index
      %get3A_339 = vector.load %arg7[%get3A_337, %get3A_338] : memref<4096x4096xbf16, #tpu.memory_space<vmem>>, vector<128x4096xbf16>
      %dot_general3A_340 = arith.constant dense<0.000000e+00> : vector<1x4096xf32>
      %dot_general3A_341 = tpu.matmul %slice3A_336, %get3A_339, %dot_general3A_340 {dimension_numbers = #tpu.dot_dimension_numbers<[1], [0], [0], [1], [0, 0, 1, 1], [], []>, transpose_lhs_hint = false} : vector<1x128xbf16>, vector<128x4096xbf16>, vector<1x4096xf32> -> vector<1x4096xf32>
      %add3A_342 = arith.addf %add3A_335, %dot_general3A_341 : vector<1x4096xf32>
      %slice3A_343 = vector.extract_strided_slice %convert_element_type3A_278 {offsets = [0, 1152], sizes = [1, 128], strides = [1, 1]} : vector<1x4096xbf16> to vector<1x128xbf16>
      %get3A_344 = arith.constant 1152 : index
      %get3A_345 = arith.constant 0 : index
      %get3A_346 = vector.load %arg7[%get3A_344, %get3A_345] : memref<4096x4096xbf16, #tpu.memory_space<vmem>>, vector<128x4096xbf16>
      %dot_general3A_347 = arith.constant dense<0.000000e+00> : vector<1x4096xf32>
      %dot_general3A_348 = tpu.matmul %slice3A_343, %get3A_346, %dot_general3A_347 {dimension_numbers = #tpu.dot_dimension_numbers<[1], [0], [0], [1], [0, 0, 1, 1], [], []>, transpose_lhs_hint = false} : vector<1x128xbf16>, vector<128x4096xbf16>, vector<1x4096xf32> -> vector<1x4096xf32>
      %add3A_349 = arith.addf %add3A_342, %dot_general3A_348 : vector<1x4096xf32>
      %slice3A_350 = vector.extract_strided_slice %convert_element_type3A_278 {offsets = [0, 1280], sizes = [1, 128], strides = [1, 1]} : vector<1x4096xbf16> to vector<1x128xbf16>
      %get3A_351 = arith.constant 1280 : index
      %get3A_352 = arith.constant 0 : index
      %get3A_353 = vector.load %arg7[%get3A_351, %get3A_352] : memref<4096x4096xbf16, #tpu.memory_space<vmem>>, vector<128x4096xbf16>
      %dot_general3A_354 = arith.constant dense<0.000000e+00> : vector<1x4096xf32>
      %dot_general3A_355 = tpu.matmul %slice3A_350, %get3A_353, %dot_general3A_354 {dimension_numbers = #tpu.dot_dimension_numbers<[1], [0], [0], [1], [0, 0, 1, 1], [], []>, transpose_lhs_hint = false} : vector<1x128xbf16>, vector<128x4096xbf16>, vector<1x4096xf32> -> vector<1x4096xf32>
      %add3A_356 = arith.addf %add3A_349, %dot_general3A_355 : vector<1x4096xf32>
      %slice3A_357 = vector.extract_strided_slice %convert_element_type3A_278 {offsets = [0, 1408], sizes = [1, 128], strides = [1, 1]} : vector<1x4096xbf16> to vector<1x128xbf16>
      %get3A_358 = arith.constant 1408 : index
      %get3A_359 = arith.constant 0 : index
      %get3A_360 = vector.load %arg7[%get3A_358, %get3A_359] : memref<4096x4096xbf16, #tpu.memory_space<vmem>>, vector<128x4096xbf16>
      %dot_general3A_361 = arith.constant dense<0.000000e+00> : vector<1x4096xf32>
      %dot_general3A_362 = tpu.matmul %slice3A_357, %get3A_360, %dot_general3A_361 {dimension_numbers = #tpu.dot_dimension_numbers<[1], [0], [0], [1], [0, 0, 1, 1], [], []>, transpose_lhs_hint = false} : vector<1x128xbf16>, vector<128x4096xbf16>, vector<1x4096xf32> -> vector<1x4096xf32>
      %add3A_363 = arith.addf %add3A_356, %dot_general3A_362 : vector<1x4096xf32>
      %slice3A_364 = vector.extract_strided_slice %convert_element_type3A_278 {offsets = [0, 1536], sizes = [1, 128], strides = [1, 1]} : vector<1x4096xbf16> to vector<1x128xbf16>
      %get3A_365 = arith.constant 1536 : index
      %get3A_366 = arith.constant 0 : index
      %get3A_367 = vector.load %arg7[%get3A_365, %get3A_366] : memref<4096x4096xbf16, #tpu.memory_space<vmem>>, vector<128x4096xbf16>
      %dot_general3A_368 = arith.constant dense<0.000000e+00> : vector<1x4096xf32>
      %dot_general3A_369 = tpu.matmul %slice3A_364, %get3A_367, %dot_general3A_368 {dimension_numbers = #tpu.dot_dimension_numbers<[1], [0], [0], [1], [0, 0, 1, 1], [], []>, transpose_lhs_hint = false} : vector<1x128xbf16>, vector<128x4096xbf16>, vector<1x4096xf32> -> vector<1x4096xf32>
      %add3A_370 = arith.addf %add3A_363, %dot_general3A_369 : vector<1x4096xf32>
      %slice3A_371 = vector.extract_strided_slice %convert_element_type3A_278 {offsets = [0, 1664], sizes = [1, 128], strides = [1, 1]} : vector<1x4096xbf16> to vector<1x128xbf16>
      %get3A_372 = arith.constant 1664 : index
      %get3A_373 = arith.constant 0 : index
      %get3A_374 = vector.load %arg7[%get3A_372, %get3A_373] : memref<4096x4096xbf16, #tpu.memory_space<vmem>>, vector<128x4096xbf16>
      %dot_general3A_375 = arith.constant dense<0.000000e+00> : vector<1x4096xf32>
      %dot_general3A_376 = tpu.matmul %slice3A_371, %get3A_374, %dot_general3A_375 {dimension_numbers = #tpu.dot_dimension_numbers<[1], [0], [0], [1], [0, 0, 1, 1], [], []>, transpose_lhs_hint = false} : vector<1x128xbf16>, vector<128x4096xbf16>, vector<1x4096xf32> -> vector<1x4096xf32>
      %add3A_377 = arith.addf %add3A_370, %dot_general3A_376 : vector<1x4096xf32>
      %slice3A_378 = vector.extract_strided_slice %convert_element_type3A_278 {offsets = [0, 1792], sizes = [1, 128], strides = [1, 1]} : vector<1x4096xbf16> to vector<1x128xbf16>
      %get3A_379 = arith.constant 1792 : index
      %get3A_380 = arith.constant 0 : index
      %get3A_381 = vector.load %arg7[%get3A_379, %get3A_380] : memref<4096x4096xbf16, #tpu.memory_space<vmem>>, vector<128x4096xbf16>
      %dot_general3A_382 = arith.constant dense<0.000000e+00> : vector<1x4096xf32>
      %dot_general3A_383 = tpu.matmul %slice3A_378, %get3A_381, %dot_general3A_382 {dimension_numbers = #tpu.dot_dimension_numbers<[1], [0], [0], [1], [0, 0, 1, 1], [], []>, transpose_lhs_hint = false} : vector<1x128xbf16>, vector<128x4096xbf16>, vector<1x4096xf32> -> vector<1x4096xf32>
      %add3A_384 = arith.addf %add3A_377, %dot_general3A_383 : vector<1x4096xf32>
      %slice3A_385 = vector.extract_strided_slice %convert_element_type3A_278 {offsets = [0, 1920], sizes = [1, 128], strides = [1, 1]} : vector<1x4096xbf16> to vector<1x128xbf16>
      %get3A_386 = arith.constant 1920 : index
      %get3A_387 = arith.constant 0 : index
      %get3A_388 = vector.load %arg7[%get3A_386, %get3A_387] : memref<4096x4096xbf16, #tpu.memory_space<vmem>>, vector<128x4096xbf16>
      %dot_general3A_389 = arith.constant dense<0.000000e+00> : vector<1x4096xf32>
      %dot_general3A_390 = tpu.matmul %slice3A_385, %get3A_388, %dot_general3A_389 {dimension_numbers = #tpu.dot_dimension_numbers<[1], [0], [0], [1], [0, 0, 1, 1], [], []>, transpose_lhs_hint = false} : vector<1x128xbf16>, vector<128x4096xbf16>, vector<1x4096xf32> -> vector<1x4096xf32>
      %add3A_391 = arith.addf %add3A_384, %dot_general3A_390 : vector<1x4096xf32>
      %slice3A_392 = vector.extract_strided_slice %convert_element_type3A_278 {offsets = [0, 2048], sizes = [1, 128], strides = [1, 1]} : vector<1x4096xbf16> to vector<1x128xbf16>
      %get3A_393 = arith.constant 2048 : index
      %get3A_394 = arith.constant 0 : index
      %get3A_395 = vector.load %arg7[%get3A_393, %get3A_394] : memref<4096x4096xbf16, #tpu.memory_space<vmem>>, vector<128x4096xbf16>
      %dot_general3A_396 = arith.constant dense<0.000000e+00> : vector<1x4096xf32>
      %dot_general3A_397 = tpu.matmul %slice3A_392, %get3A_395, %dot_general3A_396 {dimension_numbers = #tpu.dot_dimension_numbers<[1], [0], [0], [1], [0, 0, 1, 1], [], []>, transpose_lhs_hint = false} : vector<1x128xbf16>, vector<128x4096xbf16>, vector<1x4096xf32> -> vector<1x4096xf32>
      %add3A_398 = arith.addf %add3A_391, %dot_general3A_397 : vector<1x4096xf32>
      %slice3A_399 = vector.extract_strided_slice %convert_element_type3A_278 {offsets = [0, 2176], sizes = [1, 128], strides = [1, 1]} : vector<1x4096xbf16> to vector<1x128xbf16>
      %get3A_400 = arith.constant 2176 : index
      %get3A_401 = arith.constant 0 : index
      %get3A_402 = vector.load %arg7[%get3A_400, %get3A_401] : memref<4096x4096xbf16, #tpu.memory_space<vmem>>, vector<128x4096xbf16>
      %dot_general3A_403 = arith.constant dense<0.000000e+00> : vector<1x4096xf32>
      %dot_general3A_404 = tpu.matmul %slice3A_399, %get3A_402, %dot_general3A_403 {dimension_numbers = #tpu.dot_dimension_numbers<[1], [0], [0], [1], [0, 0, 1, 1], [], []>, transpose_lhs_hint = false} : vector<1x128xbf16>, vector<128x4096xbf16>, vector<1x4096xf32> -> vector<1x4096xf32>
      %add3A_405 = arith.addf %add3A_398, %dot_general3A_404 : vector<1x4096xf32>
      %slice3A_406 = vector.extract_strided_slice %convert_element_type3A_278 {offsets = [0, 2304], sizes = [1, 128], strides = [1, 1]} : vector<1x4096xbf16> to vector<1x128xbf16>
      %get3A_407 = arith.constant 2304 : index
      %get3A_408 = arith.constant 0 : index
      %get3A_409 = vector.load %arg7[%get3A_407, %get3A_408] : memref<4096x4096xbf16, #tpu.memory_space<vmem>>, vector<128x4096xbf16>
      %dot_general3A_410 = arith.constant dense<0.000000e+00> : vector<1x4096xf32>
      %dot_general3A_411 = tpu.matmul %slice3A_406, %get3A_409, %dot_general3A_410 {dimension_numbers = #tpu.dot_dimension_numbers<[1], [0], [0], [1], [0, 0, 1, 1], [], []>, transpose_lhs_hint = false} : vector<1x128xbf16>, vector<128x4096xbf16>, vector<1x4096xf32> -> vector<1x4096xf32>
      %add3A_412 = arith.addf %add3A_405, %dot_general3A_411 : vector<1x4096xf32>
      %slice3A_413 = vector.extract_strided_slice %convert_element_type3A_278 {offsets = [0, 2432], sizes = [1, 128], strides = [1, 1]} : vector<1x4096xbf16> to vector<1x128xbf16>
      %get3A_414 = arith.constant 2432 : index
      %get3A_415 = arith.constant 0 : index
      %get3A_416 = vector.load %arg7[%get3A_414, %get3A_415] : memref<4096x4096xbf16, #tpu.memory_space<vmem>>, vector<128x4096xbf16>
      %dot_general3A_417 = arith.constant dense<0.000000e+00> : vector<1x4096xf32>
      %dot_general3A_418 = tpu.matmul %slice3A_413, %get3A_416, %dot_general3A_417 {dimension_numbers = #tpu.dot_dimension_numbers<[1], [0], [0], [1], [0, 0, 1, 1], [], []>, transpose_lhs_hint = false} : vector<1x128xbf16>, vector<128x4096xbf16>, vector<1x4096xf32> -> vector<1x4096xf32>
      %add3A_419 = arith.addf %add3A_412, %dot_general3A_418 : vector<1x4096xf32>
      %slice3A_420 = vector.extract_strided_slice %convert_element_type3A_278 {offsets = [0, 2560], sizes = [1, 128], strides = [1, 1]} : vector<1x4096xbf16> to vector<1x128xbf16>
      %get3A_421 = arith.constant 2560 : index
      %get3A_422 = arith.constant 0 : index
      %get3A_423 = vector.load %arg7[%get3A_421, %get3A_422] : memref<4096x4096xbf16, #tpu.memory_space<vmem>>, vector<128x4096xbf16>
      %dot_general3A_424 = arith.constant dense<0.000000e+00> : vector<1x4096xf32>
      %dot_general3A_425 = tpu.matmul %slice3A_420, %get3A_423, %dot_general3A_424 {dimension_numbers = #tpu.dot_dimension_numbers<[1], [0], [0], [1], [0, 0, 1, 1], [], []>, transpose_lhs_hint = false} : vector<1x128xbf16>, vector<128x4096xbf16>, vector<1x4096xf32> -> vector<1x4096xf32>
      %add3A_426 = arith.addf %add3A_419, %dot_general3A_425 : vector<1x4096xf32>
      %slice3A_427 = vector.extract_strided_slice %convert_element_type3A_278 {offsets = [0, 2688], sizes = [1, 128], strides = [1, 1]} : vector<1x4096xbf16> to vector<1x128xbf16>
      %get3A_428 = arith.constant 2688 : index
      %get3A_429 = arith.constant 0 : index
      %get3A_430 = vector.load %arg7[%get3A_428, %get3A_429] : memref<4096x4096xbf16, #tpu.memory_space<vmem>>, vector<128x4096xbf16>
      %dot_general3A_431 = arith.constant dense<0.000000e+00> : vector<1x4096xf32>
      %dot_general3A_432 = tpu.matmul %slice3A_427, %get3A_430, %dot_general3A_431 {dimension_numbers = #tpu.dot_dimension_numbers<[1], [0], [0], [1], [0, 0, 1, 1], [], []>, transpose_lhs_hint = false} : vector<1x128xbf16>, vector<128x4096xbf16>, vector<1x4096xf32> -> vector<1x4096xf32>
      %add3A_433 = arith.addf %add3A_426, %dot_general3A_432 : vector<1x4096xf32>
      %slice3A_434 = vector.extract_strided_slice %convert_element_type3A_278 {offsets = [0, 2816], sizes = [1, 128], strides = [1, 1]} : vector<1x4096xbf16> to vector<1x128xbf16>
      %get3A_435 = arith.constant 2816 : index
      %get3A_436 = arith.constant 0 : index
      %get3A_437 = vector.load %arg7[%get3A_435, %get3A_436] : memref<4096x4096xbf16, #tpu.memory_space<vmem>>, vector<128x4096xbf16>
      %dot_general3A_438 = arith.constant dense<0.000000e+00> : vector<1x4096xf32>
      %dot_general3A_439 = tpu.matmul %slice3A_434, %get3A_437, %dot_general3A_438 {dimension_numbers = #tpu.dot_dimension_numbers<[1], [0], [0], [1], [0, 0, 1, 1], [], []>, transpose_lhs_hint = false} : vector<1x128xbf16>, vector<128x4096xbf16>, vector<1x4096xf32> -> vector<1x4096xf32>
      %add3A_440 = arith.addf %add3A_433, %dot_general3A_439 : vector<1x4096xf32>
      %slice3A_441 = vector.extract_strided_slice %convert_element_type3A_278 {offsets = [0, 2944], sizes = [1, 128], strides = [1, 1]} : vector<1x4096xbf16> to vector<1x128xbf16>
      %get3A_442 = arith.constant 2944 : index
      %get3A_443 = arith.constant 0 : index
      %get3A_444 = vector.load %arg7[%get3A_442, %get3A_443] : memref<4096x4096xbf16, #tpu.memory_space<vmem>>, vector<128x4096xbf16>
      %dot_general3A_445 = arith.constant dense<0.000000e+00> : vector<1x4096xf32>
      %dot_general3A_446 = tpu.matmul %slice3A_441, %get3A_444, %dot_general3A_445 {dimension_numbers = #tpu.dot_dimension_numbers<[1], [0], [0], [1], [0, 0, 1, 1], [], []>, transpose_lhs_hint = false} : vector<1x128xbf16>, vector<128x4096xbf16>, vector<1x4096xf32> -> vector<1x4096xf32>
      %add3A_447 = arith.addf %add3A_440, %dot_general3A_446 : vector<1x4096xf32>
      %slice3A_448 = vector.extract_strided_slice %convert_element_type3A_278 {offsets = [0, 3072], sizes = [1, 128], strides = [1, 1]} : vector<1x4096xbf16> to vector<1x128xbf16>
      %get3A_449 = arith.constant 3072 : index
      %get3A_450 = arith.constant 0 : index
      %get3A_451 = vector.load %arg7[%get3A_449, %get3A_450] : memref<4096x4096xbf16, #tpu.memory_space<vmem>>, vector<128x4096xbf16>
      %dot_general3A_452 = arith.constant dense<0.000000e+00> : vector<1x4096xf32>
      %dot_general3A_453 = tpu.matmul %slice3A_448, %get3A_451, %dot_general3A_452 {dimension_numbers = #tpu.dot_dimension_numbers<[1], [0], [0], [1], [0, 0, 1, 1], [], []>, transpose_lhs_hint = false} : vector<1x128xbf16>, vector<128x4096xbf16>, vector<1x4096xf32> -> vector<1x4096xf32>
      %add3A_454 = arith.addf %add3A_447, %dot_general3A_453 : vector<1x4096xf32>
      %slice3A_455 = vector.extract_strided_slice %convert_element_type3A_278 {offsets = [0, 3200], sizes = [1, 128], strides = [1, 1]} : vector<1x4096xbf16> to vector<1x128xbf16>
      %get3A_456 = arith.constant 3200 : index
      %get3A_457 = arith.constant 0 : index
      %get3A_458 = vector.load %arg7[%get3A_456, %get3A_457] : memref<4096x4096xbf16, #tpu.memory_space<vmem>>, vector<128x4096xbf16>
      %dot_general3A_459 = arith.constant dense<0.000000e+00> : vector<1x4096xf32>
      %dot_general3A_460 = tpu.matmul %slice3A_455, %get3A_458, %dot_general3A_459 {dimension_numbers = #tpu.dot_dimension_numbers<[1], [0], [0], [1], [0, 0, 1, 1], [], []>, transpose_lhs_hint = false} : vector<1x128xbf16>, vector<128x4096xbf16>, vector<1x4096xf32> -> vector<1x4096xf32>
      %add3A_461 = arith.addf %add3A_454, %dot_general3A_460 : vector<1x4096xf32>
      %slice3A_462 = vector.extract_strided_slice %convert_element_type3A_278 {offsets = [0, 3328], sizes = [1, 128], strides = [1, 1]} : vector<1x4096xbf16> to vector<1x128xbf16>
      %get3A_463 = arith.constant 3328 : index
      %get3A_464 = arith.constant 0 : index
      %get3A_465 = vector.load %arg7[%get3A_463, %get3A_464] : memref<4096x4096xbf16, #tpu.memory_space<vmem>>, vector<128x4096xbf16>
      %dot_general3A_466 = arith.constant dense<0.000000e+00> : vector<1x4096xf32>
      %dot_general3A_467 = tpu.matmul %slice3A_462, %get3A_465, %dot_general3A_466 {dimension_numbers = #tpu.dot_dimension_numbers<[1], [0], [0], [1], [0, 0, 1, 1], [], []>, transpose_lhs_hint = false} : vector<1x128xbf16>, vector<128x4096xbf16>, vector<1x4096xf32> -> vector<1x4096xf32>
      %add3A_468 = arith.addf %add3A_461, %dot_general3A_467 : vector<1x4096xf32>
      %slice3A_469 = vector.extract_strided_slice %convert_element_type3A_278 {offsets = [0, 3456], sizes = [1, 128], strides = [1, 1]} : vector<1x4096xbf16> to vector<1x128xbf16>
      %get3A_470 = arith.constant 3456 : index
      %get3A_471 = arith.constant 0 : index
      %get3A_472 = vector.load %arg7[%get3A_470, %get3A_471] : memref<4096x4096xbf16, #tpu.memory_space<vmem>>, vector<128x4096xbf16>
      %dot_general3A_473 = arith.constant dense<0.000000e+00> : vector<1x4096xf32>
      %dot_general3A_474 = tpu.matmul %slice3A_469, %get3A_472, %dot_general3A_473 {dimension_numbers = #tpu.dot_dimension_numbers<[1], [0], [0], [1], [0, 0, 1, 1], [], []>, transpose_lhs_hint = false} : vector<1x128xbf16>, vector<128x4096xbf16>, vector<1x4096xf32> -> vector<1x4096xf32>
      %add3A_475 = arith.addf %add3A_468, %dot_general3A_474 : vector<1x4096xf32>
      %slice3A_476 = vector.extract_strided_slice %convert_element_type3A_278 {offsets = [0, 3584], sizes = [1, 128], strides = [1, 1]} : vector<1x4096xbf16> to vector<1x128xbf16>
      %get3A_477 = arith.constant 3584 : index
      %get3A_478 = arith.constant 0 : index
      %get3A_479 = vector.load %arg7[%get3A_477, %get3A_478] : memref<4096x4096xbf16, #tpu.memory_space<vmem>>, vector<128x4096xbf16>
      %dot_general3A_480 = arith.constant dense<0.000000e+00> : vector<1x4096xf32>
      %dot_general3A_481 = tpu.matmul %slice3A_476, %get3A_479, %dot_general3A_480 {dimension_numbers = #tpu.dot_dimension_numbers<[1], [0], [0], [1], [0, 0, 1, 1], [], []>, transpose_lhs_hint = false} : vector<1x128xbf16>, vector<128x4096xbf16>, vector<1x4096xf32> -> vector<1x4096xf32>
      %add3A_482 = arith.addf %add3A_475, %dot_general3A_481 : vector<1x4096xf32>
      %slice3A_483 = vector.extract_strided_slice %convert_element_type3A_278 {offsets = [0, 3712], sizes = [1, 128], strides = [1, 1]} : vector<1x4096xbf16> to vector<1x128xbf16>
      %get3A_484 = arith.constant 3712 : index
      %get3A_485 = arith.constant 0 : index
      %get3A_486 = vector.load %arg7[%get3A_484, %get3A_485] : memref<4096x4096xbf16, #tpu.memory_space<vmem>>, vector<128x4096xbf16>
      %dot_general3A_487 = arith.constant dense<0.000000e+00> : vector<1x4096xf32>
      %dot_general3A_488 = tpu.matmul %slice3A_483, %get3A_486, %dot_general3A_487 {dimension_numbers = #tpu.dot_dimension_numbers<[1], [0], [0], [1], [0, 0, 1, 1], [], []>, transpose_lhs_hint = false} : vector<1x128xbf16>, vector<128x4096xbf16>, vector<1x4096xf32> -> vector<1x4096xf32>
      %add3A_489 = arith.addf %add3A_482, %dot_general3A_488 : vector<1x4096xf32>
      %slice3A_490 = vector.extract_strided_slice %convert_element_type3A_278 {offsets = [0, 3840], sizes = [1, 128], strides = [1, 1]} : vector<1x4096xbf16> to vector<1x128xbf16>
      %get3A_491 = arith.constant 3840 : index
      %get3A_492 = arith.constant 0 : index
      %get3A_493 = vector.load %arg7[%get3A_491, %get3A_492] : memref<4096x4096xbf16, #tpu.memory_space<vmem>>, vector<128x4096xbf16>
      %dot_general3A_494 = arith.constant dense<0.000000e+00> : vector<1x4096xf32>
      %dot_general3A_495 = tpu.matmul %slice3A_490, %get3A_493, %dot_general3A_494 {dimension_numbers = #tpu.dot_dimension_numbers<[1], [0], [0], [1], [0, 0, 1, 1], [], []>, transpose_lhs_hint = false} : vector<1x128xbf16>, vector<128x4096xbf16>, vector<1x4096xf32> -> vector<1x4096xf32>
      %add3A_496 = arith.addf %add3A_489, %dot_general3A_495 : vector<1x4096xf32>
      %slice3A_497 = vector.extract_strided_slice %convert_element_type3A_278 {offsets = [0, 3968], sizes = [1, 128], strides = [1, 1]} : vector<1x4096xbf16> to vector<1x128xbf16>
      %get3A_498 = arith.constant 3968 : index
      %get3A_499 = arith.constant 0 : index
      %get3A_500 = vector.load %arg7[%get3A_498, %get3A_499] : memref<4096x4096xbf16, #tpu.memory_space<vmem>>, vector<128x4096xbf16>
      %dot_general3A_501 = arith.constant dense<0.000000e+00> : vector<1x4096xf32>
      %dot_general3A_502 = tpu.matmul %slice3A_497, %get3A_500, %dot_general3A_501 {dimension_numbers = #tpu.dot_dimension_numbers<[1], [0], [0], [1], [0, 0, 1, 1], [], []>, transpose_lhs_hint = false} : vector<1x128xbf16>, vector<128x4096xbf16>, vector<1x4096xf32> -> vector<1x4096xf32>
      %add3A_503 = arith.addf %add3A_496, %dot_general3A_502 : vector<1x4096xf32>
      %gt3A_504 = arith.constant 5.000000e-01 : f32
      %gt3A_505 = vector.broadcast %gt3A_504 : f32 to vector<1x4096xf32>
      %gt3A_506 = arith.cmpf ogt, %select_n3A, %gt3A_505 : vector<1x4096xf32>
      %lt3A = arith.constant 5.000000e-01 : f32
      %lt3A_507 = vector.broadcast %lt3A : f32 to vector<1x4096xf32>
      %lt3A_508 = arith.cmpf olt, %add3A_503, %lt3A_507 : vector<1x4096xf32>
      %and3A_509 = arith.andi %gt3A_506, %lt3A_508 : vector<1x4096xi1>
      %jit3A_510 = arith.constant 1.000000e+00 : f32
      %jit3A_511 = arith.constant 0.000000e+00 : f32
      %broadcast_in_dim3A_512 = vector.broadcast %jit3A_510 : f32 to vector<1x4096xf32>
      %broadcast_in_dim3A_513 = vector.broadcast %jit3A_511 : f32 to vector<1x4096xf32>
      %select_n3A_514 = arith.select %and3A_509, %broadcast_in_dim3A_512, %broadcast_in_dim3A_513 : vector<1x4096xi1>, vector<1x4096xf32>
      %sub3A_515 = arith.subf %select_n3A_514, %while3A_275 : vector<1x4096xf32>
      %abs3A = math.absf %sub3A_515 : vector<1x4096xf32>
      %reduce_max3A = vector.shape_cast %abs3A : vector<1x4096xf32> to vector<1x1x4096xf32>
      %reduce_max3A_516 = arith.constant dense<0xFF800000> : vector<1xf32>
      %reduce_max3A_517 = vector.multi_reduction <maximumf>, %reduce_max3A, %reduce_max3A_516 [1, 2] : vector<1x1x4096xf32> to vector<1xf32>
      %reduce_max3A_518 = vector.shape_cast %reduce_max3A_517 : vector<1xf32> to vector<1x1x1xf32>
      %reduce_max3A_519 = vector.extract %reduce_max3A_518[0, 0, 0] : f32 from vector<1x1x1xf32>
      %gt3A_520 = arith.constant 0.000000e+00 : f32
      %gt3A_521 = arith.cmpf ogt, %reduce_max3A_519, %gt3A_520 : f32
      %add3A_522 = arith.constant 1 : i32
      %add3A_523 = arith.addi %while3A_277, %add3A_522 : i32
      scf.yield %select_n3A_514, %gt3A_521, %add3A_523 : vector<1x4096xf32>, i1, i32
    }
    %slice3A = vector.extract_strided_slice %while3A_62#0 {offsets = [0, 0], sizes = [1, 128], strides = [1, 1]} : vector<1x4096xf32> to vector<1x128xf32>
    %slice3A_63 = vector.extract_strided_slice %while3A_62#0 {offsets = [0, 128], sizes = [1, 128], strides = [1, 1]} : vector<1x4096xf32> to vector<1x128xf32>
    %slice3A_64 = vector.extract_strided_slice %while3A_62#0 {offsets = [0, 256], sizes = [1, 128], strides = [1, 1]} : vector<1x4096xf32> to vector<1x128xf32>
    %slice3A_65 = vector.extract_strided_slice %while3A_62#0 {offsets = [0, 384], sizes = [1, 128], strides = [1, 1]} : vector<1x4096xf32> to vector<1x128xf32>
    %slice3A_66 = vector.extract_strided_slice %while3A_62#0 {offsets = [0, 512], sizes = [1, 128], strides = [1, 1]} : vector<1x4096xf32> to vector<1x128xf32>
    %slice3A_67 = vector.extract_strided_slice %while3A_62#0 {offsets = [0, 640], sizes = [1, 128], strides = [1, 1]} : vector<1x4096xf32> to vector<1x128xf32>
    %slice3A_68 = vector.extract_strided_slice %while3A_62#0 {offsets = [0, 768], sizes = [1, 128], strides = [1, 1]} : vector<1x4096xf32> to vector<1x128xf32>
    %slice3A_69 = vector.extract_strided_slice %while3A_62#0 {offsets = [0, 896], sizes = [1, 128], strides = [1, 1]} : vector<1x4096xf32> to vector<1x128xf32>
    %slice3A_70 = vector.extract_strided_slice %while3A_62#0 {offsets = [0, 1024], sizes = [1, 128], strides = [1, 1]} : vector<1x4096xf32> to vector<1x128xf32>
    %slice3A_71 = vector.extract_strided_slice %while3A_62#0 {offsets = [0, 1152], sizes = [1, 128], strides = [1, 1]} : vector<1x4096xf32> to vector<1x128xf32>
    %slice3A_72 = vector.extract_strided_slice %while3A_62#0 {offsets = [0, 1280], sizes = [1, 128], strides = [1, 1]} : vector<1x4096xf32> to vector<1x128xf32>
    %slice3A_73 = vector.extract_strided_slice %while3A_62#0 {offsets = [0, 1408], sizes = [1, 128], strides = [1, 1]} : vector<1x4096xf32> to vector<1x128xf32>
    %slice3A_74 = vector.extract_strided_slice %while3A_62#0 {offsets = [0, 1536], sizes = [1, 128], strides = [1, 1]} : vector<1x4096xf32> to vector<1x128xf32>
    %slice3A_75 = vector.extract_strided_slice %while3A_62#0 {offsets = [0, 1664], sizes = [1, 128], strides = [1, 1]} : vector<1x4096xf32> to vector<1x128xf32>
    %slice3A_76 = vector.extract_strided_slice %while3A_62#0 {offsets = [0, 1792], sizes = [1, 128], strides = [1, 1]} : vector<1x4096xf32> to vector<1x128xf32>
    %slice3A_77 = vector.extract_strided_slice %while3A_62#0 {offsets = [0, 1920], sizes = [1, 128], strides = [1, 1]} : vector<1x4096xf32> to vector<1x128xf32>
    %slice3A_78 = vector.extract_strided_slice %while3A_62#0 {offsets = [0, 2048], sizes = [1, 128], strides = [1, 1]} : vector<1x4096xf32> to vector<1x128xf32>
    %slice3A_79 = vector.extract_strided_slice %while3A_62#0 {offsets = [0, 2176], sizes = [1, 128], strides = [1, 1]} : vector<1x4096xf32> to vector<1x128xf32>
    %slice3A_80 = vector.extract_strided_slice %while3A_62#0 {offsets = [0, 2304], sizes = [1, 128], strides = [1, 1]} : vector<1x4096xf32> to vector<1x128xf32>
    %slice3A_81 = vector.extract_strided_slice %while3A_62#0 {offsets = [0, 2432], sizes = [1, 128], strides = [1, 1]} : vector<1x4096xf32> to vector<1x128xf32>
    %slice3A_82 = vector.extract_strided_slice %while3A_62#0 {offsets = [0, 2560], sizes = [1, 128], strides = [1, 1]} : vector<1x4096xf32> to vector<1x128xf32>
    %slice3A_83 = vector.extract_strided_slice %while3A_62#0 {offsets = [0, 2688], sizes = [1, 128], strides = [1, 1]} : vector<1x4096xf32> to vector<1x128xf32>
    %slice3A_84 = vector.extract_strided_slice %while3A_62#0 {offsets = [0, 2816], sizes = [1, 128], strides = [1, 1]} : vector<1x4096xf32> to vector<1x128xf32>
    %slice3A_85 = vector.extract_strided_slice %while3A_62#0 {offsets = [0, 2944], sizes = [1, 128], strides = [1, 1]} : vector<1x4096xf32> to vector<1x128xf32>
    %slice3A_86 = vector.extract_strided_slice %while3A_62#0 {offsets = [0, 3072], sizes = [1, 128], strides = [1, 1]} : vector<1x4096xf32> to vector<1x128xf32>
    %slice3A_87 = vector.extract_strided_slice %while3A_62#0 {offsets = [0, 3200], sizes = [1, 128], strides = [1, 1]} : vector<1x4096xf32> to vector<1x128xf32>
    %slice3A_88 = vector.extract_strided_slice %while3A_62#0 {offsets = [0, 3328], sizes = [1, 128], strides = [1, 1]} : vector<1x4096xf32> to vector<1x128xf32>
    %slice3A_89 = vector.extract_strided_slice %while3A_62#0 {offsets = [0, 3456], sizes = [1, 128], strides = [1, 1]} : vector<1x4096xf32> to vector<1x128xf32>
    %slice3A_90 = vector.extract_strided_slice %while3A_62#0 {offsets = [0, 3584], sizes = [1, 128], strides = [1, 1]} : vector<1x4096xf32> to vector<1x128xf32>
    %slice3A_91 = vector.extract_strided_slice %while3A_62#0 {offsets = [0, 3712], sizes = [1, 128], strides = [1, 1]} : vector<1x4096xf32> to vector<1x128xf32>
    %slice3A_92 = vector.extract_strided_slice %while3A_62#0 {offsets = [0, 3840], sizes = [1, 128], strides = [1, 1]} : vector<1x4096xf32> to vector<1x128xf32>
    %slice3A_93 = vector.extract_strided_slice %while3A_62#0 {offsets = [0, 3968], sizes = [1, 128], strides = [1, 1]} : vector<1x4096xf32> to vector<1x128xf32>
    %concatenate3A = tpu.concatenate %slice3A, %slice3A_63, %slice3A_64, %slice3A_65, %slice3A_66, %slice3A_67, %slice3A_68, %slice3A_69, %slice3A_70, %slice3A_71, %slice3A_72, %slice3A_73, %slice3A_74, %slice3A_75, %slice3A_76, %slice3A_77, %slice3A_78, %slice3A_79, %slice3A_80, %slice3A_81, %slice3A_82, %slice3A_83, %slice3A_84, %slice3A_85, %slice3A_86, %slice3A_87, %slice3A_88, %slice3A_89, %slice3A_90, %slice3A_91, %slice3A_92, %slice3A_93 in 0 : vector<1x128xf32>, vector<1x128xf32>, vector<1x128xf32>, vector<1x128xf32>, vector<1x128xf32>, vector<1x128xf32>, vector<1x128xf32>, vector<1x128xf32>, vector<1x128xf32>, vector<1x128xf32>, vector<1x128xf32>, vector<1x128xf32>, vector<1x128xf32>, vector<1x128xf32>, vector<1x128xf32>, vector<1x128xf32>, vector<1x128xf32>, vector<1x128xf32>, vector<1x128xf32>, vector<1x128xf32>, vector<1x128xf32>, vector<1x128xf32>, vector<1x128xf32>, vector<1x128xf32>, vector<1x128xf32>, vector<1x128xf32>, vector<1x128xf32>, vector<1x128xf32>, vector<1x128xf32>, vector<1x128xf32>, vector<1x128xf32>, vector<1x128xf32> -> vector<32x128xf32>
    %broadcast_in_dim3A_94 = arith.constant 0.000000e+00 : f32
    %broadcast_in_dim3A_95 = vector.broadcast %broadcast_in_dim3A_94 : f32 to vector<32x1xf32>
    %slice3A_96 = vector.extract_strided_slice %concatenate3A {offsets = [0, 0], sizes = [32, 127], strides = [1, 1]} : vector<32x128xf32> to vector<32x127xf32>
    %concatenate3A_97 = tpu.concatenate %broadcast_in_dim3A_95, %slice3A_96 in 1 : vector<32x1xf32>, vector<32x127xf32> -> vector<32x128xf32>
    %add3A_98 = arith.addf %concatenate3A, %concatenate3A_97 : vector<32x128xf32>
    %broadcast_in_dim3A_99 = arith.constant 0.000000e+00 : f32
    %broadcast_in_dim3A_100 = vector.broadcast %broadcast_in_dim3A_99 : f32 to vector<32x2xf32>
    %slice3A_101 = vector.extract_strided_slice %add3A_98 {offsets = [0, 0], sizes = [32, 126], strides = [1, 1]} : vector<32x128xf32> to vector<32x126xf32>
    %concatenate3A_102 = tpu.concatenate %broadcast_in_dim3A_100, %slice3A_101 in 1 : vector<32x2xf32>, vector<32x126xf32> -> vector<32x128xf32>
    %add3A_103 = arith.addf %add3A_98, %concatenate3A_102 : vector<32x128xf32>
    %broadcast_in_dim3A_104 = arith.constant 0.000000e+00 : f32
    %broadcast_in_dim3A_105 = vector.broadcast %broadcast_in_dim3A_104 : f32 to vector<32x4xf32>
    %slice3A_106 = vector.extract_strided_slice %add3A_103 {offsets = [0, 0], sizes = [32, 124], strides = [1, 1]} : vector<32x128xf32> to vector<32x124xf32>
    %concatenate3A_107 = tpu.concatenate %broadcast_in_dim3A_105, %slice3A_106 in 1 : vector<32x4xf32>, vector<32x124xf32> -> vector<32x128xf32>
    %add3A_108 = arith.addf %add3A_103, %concatenate3A_107 : vector<32x128xf32>
    %broadcast_in_dim3A_109 = arith.constant 0.000000e+00 : f32
    %broadcast_in_dim3A_110 = vector.broadcast %broadcast_in_dim3A_109 : f32 to vector<32x8xf32>
    %slice3A_111 = vector.extract_strided_slice %add3A_108 {offsets = [0, 0], sizes = [32, 120], strides = [1, 1]} : vector<32x128xf32> to vector<32x120xf32>
    %concatenate3A_112 = tpu.concatenate %broadcast_in_dim3A_110, %slice3A_111 in 1 : vector<32x8xf32>, vector<32x120xf32> -> vector<32x128xf32>
    %add3A_113 = arith.addf %add3A_108, %concatenate3A_112 : vector<32x128xf32>
    %broadcast_in_dim3A_114 = arith.constant 0.000000e+00 : f32
    %broadcast_in_dim3A_115 = vector.broadcast %broadcast_in_dim3A_114 : f32 to vector<32x16xf32>
    %slice3A_116 = vector.extract_strided_slice %add3A_113 {offsets = [0, 0], sizes = [32, 112], strides = [1, 1]} : vector<32x128xf32> to vector<32x112xf32>
    %concatenate3A_117 = tpu.concatenate %broadcast_in_dim3A_115, %slice3A_116 in 1 : vector<32x16xf32>, vector<32x112xf32> -> vector<32x128xf32>
    %add3A_118 = arith.addf %add3A_113, %concatenate3A_117 : vector<32x128xf32>
    %broadcast_in_dim3A_119 = arith.constant 0.000000e+00 : f32
    %broadcast_in_dim3A_120 = vector.broadcast %broadcast_in_dim3A_119 : f32 to vector<32x32xf32>
    %slice3A_121 = vector.extract_strided_slice %add3A_118 {offsets = [0, 0], sizes = [32, 96], strides = [1, 1]} : vector<32x128xf32> to vector<32x96xf32>
    %concatenate3A_122 = tpu.concatenate %broadcast_in_dim3A_120, %slice3A_121 in 1 : vector<32x32xf32>, vector<32x96xf32> -> vector<32x128xf32>
    %add3A_123 = arith.addf %add3A_118, %concatenate3A_122 : vector<32x128xf32>
    %broadcast_in_dim3A_124 = arith.constant 0.000000e+00 : f32
    %broadcast_in_dim3A_125 = vector.broadcast %broadcast_in_dim3A_124 : f32 to vector<32x64xf32>
    %slice3A_126 = vector.extract_strided_slice %add3A_123 {offsets = [0, 0], sizes = [32, 64], strides = [1, 1]} : vector<32x128xf32> to vector<32x64xf32>
    %concatenate3A_127 = tpu.concatenate %broadcast_in_dim3A_125, %slice3A_126 in 1 : vector<32x64xf32>, vector<32x64xf32> -> vector<32x128xf32>
    %add3A_128 = arith.addf %add3A_123, %concatenate3A_127 : vector<32x128xf32>
    %reduce_sum3A = arith.constant dense<0.000000e+00> : vector<32xf32>
    %reduce_sum3A_129 = vector.multi_reduction <add>, %concatenate3A, %reduce_sum3A [1] : vector<32x128xf32> to vector<32xf32>
    %broadcast_in_dim3A_130 = vector.shape_cast %reduce_sum3A_129 : vector<32xf32> to vector<32x1xf32>
    %broadcast_in_dim3A_131 = arith.constant 0.000000e+00 : f32
    %broadcast_in_dim3A_132 = vector.broadcast %broadcast_in_dim3A_131 : f32 to vector<1x1xf32>
    %slice3A_133 = vector.extract_strided_slice %broadcast_in_dim3A_130 {offsets = [0, 0], sizes = [31, 1], strides = [1, 1]} : vector<32x1xf32> to vector<31x1xf32>
    %concatenate3A_134 = tpu.concatenate %broadcast_in_dim3A_132, %slice3A_133 in 0 : vector<1x1xf32>, vector<31x1xf32> -> vector<32x1xf32>
    %add3A_135 = arith.addf %broadcast_in_dim3A_130, %concatenate3A_134 : vector<32x1xf32>
    %broadcast_in_dim3A_136 = arith.constant 0.000000e+00 : f32
    %broadcast_in_dim3A_137 = vector.broadcast %broadcast_in_dim3A_136 : f32 to vector<2x1xf32>
    %slice3A_138 = vector.extract_strided_slice %add3A_135 {offsets = [0, 0], sizes = [30, 1], strides = [1, 1]} : vector<32x1xf32> to vector<30x1xf32>
    %concatenate3A_139 = tpu.concatenate %broadcast_in_dim3A_137, %slice3A_138 in 0 : vector<2x1xf32>, vector<30x1xf32> -> vector<32x1xf32>
    %add3A_140 = arith.addf %add3A_135, %concatenate3A_139 : vector<32x1xf32>
    %broadcast_in_dim3A_141 = arith.constant 0.000000e+00 : f32
    %broadcast_in_dim3A_142 = vector.broadcast %broadcast_in_dim3A_141 : f32 to vector<4x1xf32>
    %slice3A_143 = vector.extract_strided_slice %add3A_140 {offsets = [0, 0], sizes = [28, 1], strides = [1, 1]} : vector<32x1xf32> to vector<28x1xf32>
    %concatenate3A_144 = tpu.concatenate %broadcast_in_dim3A_142, %slice3A_143 in 0 : vector<4x1xf32>, vector<28x1xf32> -> vector<32x1xf32>
    %add3A_145 = arith.addf %add3A_140, %concatenate3A_144 : vector<32x1xf32>
    %broadcast_in_dim3A_146 = arith.constant 0.000000e+00 : f32
    %broadcast_in_dim3A_147 = vector.broadcast %broadcast_in_dim3A_146 : f32 to vector<8x1xf32>
    %slice3A_148 = vector.extract_strided_slice %add3A_145 {offsets = [0, 0], sizes = [24, 1], strides = [1, 1]} : vector<32x1xf32> to vector<24x1xf32>
    %concatenate3A_149 = tpu.concatenate %broadcast_in_dim3A_147, %slice3A_148 in 0 : vector<8x1xf32>, vector<24x1xf32> -> vector<32x1xf32>
    %add3A_150 = arith.addf %add3A_145, %concatenate3A_149 : vector<32x1xf32>
    %broadcast_in_dim3A_151 = arith.constant 0.000000e+00 : f32
    %broadcast_in_dim3A_152 = vector.broadcast %broadcast_in_dim3A_151 : f32 to vector<16x1xf32>
    %slice3A_153 = vector.extract_strided_slice %add3A_150 {offsets = [0, 0], sizes = [16, 1], strides = [1, 1]} : vector<32x1xf32> to vector<16x1xf32>
    %concatenate3A_154 = tpu.concatenate %broadcast_in_dim3A_152, %slice3A_153 in 0 : vector<16x1xf32>, vector<16x1xf32> -> vector<32x1xf32>
    %add3A_155 = arith.addf %add3A_150, %concatenate3A_154 : vector<32x1xf32>
    %sub3A_156 = arith.subf %add3A_155, %broadcast_in_dim3A_130 : vector<32x1xf32>
    %add3A_157 = vector.broadcast %sub3A_156 : vector<32x1xf32> to vector<32x128xf32>
    %add3A_158 = arith.addf %add3A_128, %add3A_157 : vector<32x128xf32>
    %slice3A_159 = vector.extract_strided_slice %add3A_158 {offsets = [0, 0], sizes = [1, 128], strides = [1, 1]} : vector<32x128xf32> to vector<1x128xf32>
    %slice3A_160 = vector.extract_strided_slice %add3A_158 {offsets = [1, 0], sizes = [1, 128], strides = [1, 1]} : vector<32x128xf32> to vector<1x128xf32>
    %slice3A_161 = vector.extract_strided_slice %add3A_158 {offsets = [2, 0], sizes = [1, 128], strides = [1, 1]} : vector<32x128xf32> to vector<1x128xf32>
    %slice3A_162 = vector.extract_strided_slice %add3A_158 {offsets = [3, 0], sizes = [1, 128], strides = [1, 1]} : vector<32x128xf32> to vector<1x128xf32>
    %slice3A_163 = vector.extract_strided_slice %add3A_158 {offsets = [4, 0], sizes = [1, 128], strides = [1, 1]} : vector<32x128xf32> to vector<1x128xf32>
    %slice3A_164 = vector.extract_strided_slice %add3A_158 {offsets = [5, 0], sizes = [1, 128], strides = [1, 1]} : vector<32x128xf32> to vector<1x128xf32>
    %slice3A_165 = vector.extract_strided_slice %add3A_158 {offsets = [6, 0], sizes = [1, 128], strides = [1, 1]} : vector<32x128xf32> to vector<1x128xf32>
    %slice3A_166 = vector.extract_strided_slice %add3A_158 {offsets = [7, 0], sizes = [1, 128], strides = [1, 1]} : vector<32x128xf32> to vector<1x128xf32>
    %slice3A_167 = vector.extract_strided_slice %add3A_158 {offsets = [8, 0], sizes = [1, 128], strides = [1, 1]} : vector<32x128xf32> to vector<1x128xf32>
    %slice3A_168 = vector.extract_strided_slice %add3A_158 {offsets = [9, 0], sizes = [1, 128], strides = [1, 1]} : vector<32x128xf32> to vector<1x128xf32>
    %slice3A_169 = vector.extract_strided_slice %add3A_158 {offsets = [10, 0], sizes = [1, 128], strides = [1, 1]} : vector<32x128xf32> to vector<1x128xf32>
    %slice3A_170 = vector.extract_strided_slice %add3A_158 {offsets = [11, 0], sizes = [1, 128], strides = [1, 1]} : vector<32x128xf32> to vector<1x128xf32>
    %slice3A_171 = vector.extract_strided_slice %add3A_158 {offsets = [12, 0], sizes = [1, 128], strides = [1, 1]} : vector<32x128xf32> to vector<1x128xf32>
    %slice3A_172 = vector.extract_strided_slice %add3A_158 {offsets = [13, 0], sizes = [1, 128], strides = [1, 1]} : vector<32x128xf32> to vector<1x128xf32>
    %slice3A_173 = vector.extract_strided_slice %add3A_158 {offsets = [14, 0], sizes = [1, 128], strides = [1, 1]} : vector<32x128xf32> to vector<1x128xf32>
    %slice3A_174 = vector.extract_strided_slice %add3A_158 {offsets = [15, 0], sizes = [1, 128], strides = [1, 1]} : vector<32x128xf32> to vector<1x128xf32>
    %slice3A_175 = vector.extract_strided_slice %add3A_158 {offsets = [16, 0], sizes = [1, 128], strides = [1, 1]} : vector<32x128xf32> to vector<1x128xf32>
    %slice3A_176 = vector.extract_strided_slice %add3A_158 {offsets = [17, 0], sizes = [1, 128], strides = [1, 1]} : vector<32x128xf32> to vector<1x128xf32>
    %slice3A_177 = vector.extract_strided_slice %add3A_158 {offsets = [18, 0], sizes = [1, 128], strides = [1, 1]} : vector<32x128xf32> to vector<1x128xf32>
    %slice3A_178 = vector.extract_strided_slice %add3A_158 {offsets = [19, 0], sizes = [1, 128], strides = [1, 1]} : vector<32x128xf32> to vector<1x128xf32>
    %slice3A_179 = vector.extract_strided_slice %add3A_158 {offsets = [20, 0], sizes = [1, 128], strides = [1, 1]} : vector<32x128xf32> to vector<1x128xf32>
    %slice3A_180 = vector.extract_strided_slice %add3A_158 {offsets = [21, 0], sizes = [1, 128], strides = [1, 1]} : vector<32x128xf32> to vector<1x128xf32>
    %slice3A_181 = vector.extract_strided_slice %add3A_158 {offsets = [22, 0], sizes = [1, 128], strides = [1, 1]} : vector<32x128xf32> to vector<1x128xf32>
    %slice3A_182 = vector.extract_strided_slice %add3A_158 {offsets = [23, 0], sizes = [1, 128], strides = [1, 1]} : vector<32x128xf32> to vector<1x128xf32>
    %slice3A_183 = vector.extract_strided_slice %add3A_158 {offsets = [24, 0], sizes = [1, 128], strides = [1, 1]} : vector<32x128xf32> to vector<1x128xf32>
    %slice3A_184 = vector.extract_strided_slice %add3A_158 {offsets = [25, 0], sizes = [1, 128], strides = [1, 1]} : vector<32x128xf32> to vector<1x128xf32>
    %slice3A_185 = vector.extract_strided_slice %add3A_158 {offsets = [26, 0], sizes = [1, 128], strides = [1, 1]} : vector<32x128xf32> to vector<1x128xf32>
    %slice3A_186 = vector.extract_strided_slice %add3A_158 {offsets = [27, 0], sizes = [1, 128], strides = [1, 1]} : vector<32x128xf32> to vector<1x128xf32>
    %slice3A_187 = vector.extract_strided_slice %add3A_158 {offsets = [28, 0], sizes = [1, 128], strides = [1, 1]} : vector<32x128xf32> to vector<1x128xf32>
    %slice3A_188 = vector.extract_strided_slice %add3A_158 {offsets = [29, 0], sizes = [1, 128], strides = [1, 1]} : vector<32x128xf32> to vector<1x128xf32>
    %slice3A_189 = vector.extract_strided_slice %add3A_158 {offsets = [30, 0], sizes = [1, 128], strides = [1, 1]} : vector<32x128xf32> to vector<1x128xf32>
    %slice3A_190 = vector.extract_strided_slice %add3A_158 {offsets = [31, 0], sizes = [1, 128], strides = [1, 1]} : vector<32x128xf32> to vector<1x128xf32>
    %concatenate3A_191 = tpu.concatenate %slice3A_159, %slice3A_160, %slice3A_161, %slice3A_162, %slice3A_163, %slice3A_164, %slice3A_165, %slice3A_166, %slice3A_167, %slice3A_168, %slice3A_169, %slice3A_170, %slice3A_171, %slice3A_172, %slice3A_173, %slice3A_174, %slice3A_175, %slice3A_176, %slice3A_177, %slice3A_178, %slice3A_179, %slice3A_180, %slice3A_181, %slice3A_182, %slice3A_183, %slice3A_184, %slice3A_185, %slice3A_186, %slice3A_187, %slice3A_188, %slice3A_189, %slice3A_190 in 1 : vector<1x128xf32>, vector<1x128xf32>, vector<1x128xf32>, vector<1x128xf32>, vector<1x128xf32>, vector<1x128xf32>, vector<1x128xf32>, vector<1x128xf32>, vector<1x128xf32>, vector<1x128xf32>, vector<1x128xf32>, vector<1x128xf32>, vector<1x128xf32>, vector<1x128xf32>, vector<1x128xf32>, vector<1x128xf32>, vector<1x128xf32>, vector<1x128xf32>, vector<1x128xf32>, vector<1x128xf32>, vector<1x128xf32>, vector<1x128xf32>, vector<1x128xf32>, vector<1x128xf32>, vector<1x128xf32>, vector<1x128xf32>, vector<1x128xf32>, vector<1x128xf32>, vector<1x128xf32>, vector<1x128xf32>, vector<1x128xf32>, vector<1x128xf32> -> vector<1x4096xf32>
    %iota3A_192 = tpu.iota {dimensions = array<i32: 0>} : vector<128x4096xi32>
    %gt3A_193 = arith.constant 5.000000e-01 : f32
    %gt3A_194 = vector.broadcast %gt3A_193 : f32 to vector<1x4096xf32>
    %gt3A_195 = arith.cmpf ogt, %while3A_62#0, %gt3A_194 : vector<1x4096xf32>
    %convert_element_type3A = arith.fptosi %concatenate3A_191 : vector<1x4096xf32> to vector<1x4096xi32>
    %add3A_196 = arith.constant 1 : i32
    %add3A_197 = vector.broadcast %add3A_196 : i32 to vector<128x4096xi32>
    %add3A_198 = arith.addi %iota3A_192, %add3A_197 : vector<128x4096xi32>
    %eq3A = vector.broadcast %convert_element_type3A : vector<1x4096xi32> to vector<128x4096xi32>
    %eq3A_199 = arith.cmpi eq, %eq3A, %add3A_198 : vector<128x4096xi32>
    %and3A = vector.broadcast %gt3A_195 : vector<1x4096xi1> to vector<128x4096xi1>
    %and3A_200 = arith.andi %and3A, %eq3A_199 : vector<128x4096xi1>
    %jit3A_201 = arith.constant 1.000000e+00 : f32
    %jit3A_202 = arith.constant 0.000000e+00 : f32
    %broadcast_in_dim3A_203 = vector.broadcast %jit3A_201 : f32 to vector<128x4096xf32>
    %broadcast_in_dim3A_204 = vector.broadcast %jit3A_202 : f32 to vector<128x4096xf32>
    %select_n3A_205 = arith.select %and3A_200, %broadcast_in_dim3A_203, %broadcast_in_dim3A_204 : vector<128x4096xi1>, vector<128x4096xf32>
    %get3A_206 = arith.constant 0 : index
    %get3A_207 = arith.constant 0 : index
    %get3A_208 = vector.load %arg0[%get3A_206, %get3A_207] : memref<4x4096xf32, #tpu.memory_space<vmem>>, vector<1x4096xf32>
    %jit3A_209 = arith.constant 0.000000e+00 : f32
    %jit3A_210 = arith.constant 1.333000e+03 : f32
    %max3A_211 = vector.broadcast %jit3A_209 : f32 to vector<1x4096xf32>
    %max3A_212 = arith.maximumf %max3A_211, %get3A_208 : vector<1x4096xf32>
    %min3A_213 = vector.broadcast %jit3A_210 : f32 to vector<1x4096xf32>
    %min3A_214 = arith.minimumf %min3A_213, %max3A_212 : vector<1x4096xf32>
    %get3A_215 = arith.constant 1 : index
    %get3A_216 = arith.constant 0 : index
    %get3A_217 = vector.load %arg0[%get3A_215, %get3A_216] : memref<4x4096xf32, #tpu.memory_space<vmem>>, vector<1x4096xf32>
    %jit3A_218 = arith.constant 0.000000e+00 : f32
    %jit3A_219 = arith.constant 8.000000e+02 : f32
    %max3A_220 = vector.broadcast %jit3A_218 : f32 to vector<1x4096xf32>
    %max3A_221 = arith.maximumf %max3A_220, %get3A_217 : vector<1x4096xf32>
    %min3A_222 = vector.broadcast %jit3A_219 : f32 to vector<1x4096xf32>
    %min3A_223 = arith.minimumf %min3A_222, %max3A_221 : vector<1x4096xf32>
    %get3A_224 = arith.constant 2 : index
    %get3A_225 = arith.constant 0 : index
    %get3A_226 = vector.load %arg0[%get3A_224, %get3A_225] : memref<4x4096xf32, #tpu.memory_space<vmem>>, vector<1x4096xf32>
    %jit3A_227 = arith.constant 0.000000e+00 : f32
    %jit3A_228 = arith.constant 1.333000e+03 : f32
    %max3A_229 = vector.broadcast %jit3A_227 : f32 to vector<1x4096xf32>
    %max3A_230 = arith.maximumf %max3A_229, %get3A_226 : vector<1x4096xf32>
    %min3A_231 = vector.broadcast %jit3A_228 : f32 to vector<1x4096xf32>
    %min3A_232 = arith.minimumf %min3A_231, %max3A_230 : vector<1x4096xf32>
    %get3A_233 = arith.constant 3 : index
    %get3A_234 = arith.constant 0 : index
    %get3A_235 = vector.load %arg0[%get3A_233, %get3A_234] : memref<4x4096xf32, #tpu.memory_space<vmem>>, vector<1x4096xf32>
    %jit3A_236 = arith.constant 0.000000e+00 : f32
    %jit3A_237 = arith.constant 8.000000e+02 : f32
    %max3A_238 = vector.broadcast %jit3A_236 : f32 to vector<1x4096xf32>
    %max3A_239 = arith.maximumf %max3A_238, %get3A_235 : vector<1x4096xf32>
    %min3A_240 = vector.broadcast %jit3A_237 : f32 to vector<1x4096xf32>
    %min3A_241 = arith.minimumf %min3A_240, %max3A_239 : vector<1x4096xf32>
    %get3A_242 = arith.constant 0 : index
    %get3A_243 = arith.constant 0 : index
    %get3A_244 = vector.load %arg4[%get3A_242, %get3A_243] : memref<1x4096xf32, #tpu.memory_space<vmem>>, vector<1x4096xf32>
    %mul3A_245 = vector.broadcast %min3A_214 : vector<1x4096xf32> to vector<128x4096xf32>
    %mul3A_246 = arith.mulf %select_n3A_205, %mul3A_245 : vector<128x4096xf32>
    %reduce_sum3A_247 = arith.constant dense<0.000000e+00> : vector<128xf32>
    %reduce_sum3A_248 = vector.multi_reduction <add>, %mul3A_246, %reduce_sum3A_247 [1] : vector<128x4096xf32> to vector<128xf32>
    %broadcast_in_dim3A_249 = vector.shape_cast %reduce_sum3A_248 : vector<128xf32> to vector<128x1xf32>
    %mul3A_250 = vector.broadcast %min3A_223 : vector<1x4096xf32> to vector<128x4096xf32>
    %mul3A_251 = arith.mulf %select_n3A_205, %mul3A_250 : vector<128x4096xf32>
    %reduce_sum3A_252 = arith.constant dense<0.000000e+00> : vector<128xf32>
    %reduce_sum3A_253 = vector.multi_reduction <add>, %mul3A_251, %reduce_sum3A_252 [1] : vector<128x4096xf32> to vector<128xf32>
    %broadcast_in_dim3A_254 = vector.shape_cast %reduce_sum3A_253 : vector<128xf32> to vector<128x1xf32>
    %mul3A_255 = vector.broadcast %min3A_232 : vector<1x4096xf32> to vector<128x4096xf32>
    %mul3A_256 = arith.mulf %select_n3A_205, %mul3A_255 : vector<128x4096xf32>
    %reduce_sum3A_257 = arith.constant dense<0.000000e+00> : vector<128xf32>
    %reduce_sum3A_258 = vector.multi_reduction <add>, %mul3A_256, %reduce_sum3A_257 [1] : vector<128x4096xf32> to vector<128xf32>
    %broadcast_in_dim3A_259 = vector.shape_cast %reduce_sum3A_258 : vector<128xf32> to vector<128x1xf32>
    %mul3A_260 = vector.broadcast %min3A_241 : vector<1x4096xf32> to vector<128x4096xf32>
    %mul3A_261 = arith.mulf %select_n3A_205, %mul3A_260 : vector<128x4096xf32>
    %reduce_sum3A_262 = arith.constant dense<0.000000e+00> : vector<128xf32>
    %reduce_sum3A_263 = vector.multi_reduction <add>, %mul3A_261, %reduce_sum3A_262 [1] : vector<128x4096xf32> to vector<128xf32>
    %broadcast_in_dim3A_264 = vector.shape_cast %reduce_sum3A_263 : vector<128xf32> to vector<128x1xf32>
    %mul3A_265 = vector.broadcast %get3A_244 : vector<1x4096xf32> to vector<128x4096xf32>
    %mul3A_266 = arith.mulf %select_n3A_205, %mul3A_265 : vector<128x4096xf32>
    %reduce_sum3A_267 = arith.constant dense<0.000000e+00> : vector<128xf32>
    %reduce_sum3A_268 = vector.multi_reduction <add>, %mul3A_266, %reduce_sum3A_267 [1] : vector<128x4096xf32> to vector<128xf32>
    %broadcast_in_dim3A_269 = vector.shape_cast %reduce_sum3A_268 : vector<128xf32> to vector<128x1xf32>
    %broadcast_in_dim3A_270 = arith.constant 0.000000e+00 : f32
    %broadcast_in_dim3A_271 = vector.broadcast %broadcast_in_dim3A_270 : f32 to vector<128x123xf32>
    %concatenate3A_272 = tpu.concatenate %broadcast_in_dim3A_249, %broadcast_in_dim3A_254, %broadcast_in_dim3A_259, %broadcast_in_dim3A_264, %broadcast_in_dim3A_269, %broadcast_in_dim3A_271 in 1 : vector<128x1xf32>, vector<128x1xf32>, vector<128x1xf32>, vector<128x1xf32>, vector<128x1xf32>, vector<128x123xf32> -> vector<128x128xf32>
    %swap3A = arith.constant 0 : index
    %swap3A_273 = arith.constant 0 : index
    %swap3A_274 = vector.load %arg6[%swap3A, %swap3A_273] : memref<128x128xf32, #tpu.memory_space<vmem>>, vector<128x128xf32>
    tpu.vector_store %arg6[%swap3A, %swap3A_273], %concatenate3A_272 {strides = array<i32>} : memref<128x128xf32, #tpu.memory_space<vmem>>, vector<128x128xf32>,
    return
  }
}

</mosaic_0001>

<sc_bundles>
// kernel: gather_offload_async_start
scs
__scs_entry_jumppad:
0x0: {  	(pc) =	sbr.rel $0x88, $3  }
0x1: {  	(tag) =	ssettag $0x0;
	lr =	simm.s32 $0x1  }
0x2: {  	[smem:$0x3F9F] =	sst lr;
	_ =	strace $0xD0000000  }
0x3: {  	_ = 	snop  }
0x4: {  	_ = 	snop  }
0x5: {  	_ = 	snop  }
0x6: {  	_ = 	snop  }
0x7: {  	_ = 	snop  }
__scs_overlays_trampoline_lowered:
0x8: {  	[smem:$0x3FAE] =	sst s0  }
0x9: {  	[smem:$0x3FAF] =	sst s1  }
0xa: {  	[smem:$0x3FB0] =	sst s2  }
0xb: {  	[smem:$0x3FB1] =	sst s3  }
0xc: {  	[smem:$0x3FB2] =	sst s4  }
0xd: {  	[smem:$0x3FB3] =	sst s5  }
0xe: {  	[smem:$0x3FB4] =	sst s6  }
0xf: {  	[smem:$0x3FB5] =	sst s7  }
0x10: {  	[smem:$0x3FB6] =	sst s8  }
0x11: {  	[smem:$0x3FB7] =	sst s9;
	s0 =	simm.s32 @!p0 $0x0  }
0x12: {  	s1 =	sld [smem:$0x3F9D];
	s0 =	simm.s32 @p0 $0x1  }
0x13: {  	[smem:$0x3FB8] =	sst s0;
	s0 =	simm.s32 @!p1 $0x0  }
0x14: {  	s2 =	sld [smem:$0x3F9C];
	s0 =	simm.s32 @p1 $0x1  }
0x15: {  	[smem:$0x3FB9] =	sst s0;
	s0 =	simm.s32 @!p2 $0x0  }
0x16: {  	s3 =	sld [smem:$0x3FDB];
	s0 =	simm.s32 @p2 $0x1  }
0x17: {  	s4 =	simm.s32 $0x1BF5;
	[smem:$0x3FBB] =	sst s0  }
0x18: {  	s0 =	sld [smem:$0x3F9E];
	_ =	swait.ge [sflag:s4], $0x0  }
0x19: {  	s7 =	sld [smem:$0x3F9F]  }
0x1a: {  	s8 =	sadd.s32 $0xFFFFE003, lr  }
0x1b: {  	s9 =	sadd.s32 $0xFFFFFEF7, lr;
	s5 =	simm.s32 $0xFFFFFFFF;
	p2 =	slt.u32 s8, $0xFFFFF086  }
0x1c: {  	p1 =	slt.u32 s9, $0xF7A;
	s5 =	simm.s32 @!p2 $0x0  }
0x1d: {  	s5 =	simm.s32 @p1 $0x1;
	p0 =	seq.s32 s7, s2  }
0x1e: {  	s7 =	smul.u32 @!p0 $0xF7A, s2;
	p2 =	seq.s32 @!p0 s5, $0x0  }
0x1f: {  	s9 =	smul.u32 $0xF7A, s1;
	s8 =	simm.s32 @!p0 $0x1BF5;
	p2 =	por !p2, p0  }
0x20: {  	[sflag:s8] =	ssyncset.s32 @!p0 $0xFFFFF086;
	s6 =	sadd.s32 @!p0 s3, s7;
	s7 =	simm.s32 @!p0 $0x108  }
0x21: {  	s3 =	sadd.s32 s3, s9;
	s6 =	sadd.s32 @!p0 $0x88, s6;
	s7 =	simm.s32 @p2 $0x1082  }
0x22: {  	[simem:s7], [sflag:s8] =	dma.local @!p0 [hbm:s6], $0xF7A  }
0x23: {  	s9 =	sor.u32 $0xD0000000, s2;
	s6 =	simm.s32 $0x108;
	_ =	swait.ge @!p0 [sflag:s8], $0x0  }
0x24: {  	s3 =	sadd.s32 $0x88, s3;
	s6 =	simm.s32 @!p1 $0x1082;
	[sflag:s4] =	ssyncset.s32 $0xFFFFF086  }
0x25: {  	[simem:s6], [sflag:s4] =	dma.local [hbm:s3], $0xF7A  }
0x26: {  	[smem:$0x3F9F] =	sst s1;
	(tag) =	ssettag s2;
	_ =	strace s9  }
0x27: {  	s1 =	sld [smem:$0x3FAF]  }
0x28: {  	s2 =	sld [smem:$0x3FB0]  }
0x29: {  	s4 =	sld [smem:$0x3FB2]  }
0x2a: {  	p0 =	seq.s32 s5, $0x0;
	s5 =	sld [smem:$0x3FB3]  }
0x2b: {  	s6 =	sld [smem:$0x3FB4]  }
0x2c: {  	s7 =	sld [smem:$0x3FB5]  }
0x2d: {  	s3 =	simm.s32 $0x108;
	s8 =	sld [smem:$0x3FB6]  }
0x2e: {  	s3 =	simm.s32 @!p0 $0x1082;
	s9 =	sld [smem:$0x3FB7]  }
0x2f: {  	lr =	sadd.s32 s0, s3;
	s0 =	sld [smem:$0x3FAE]  }
0x30: {  	s3 =	sld [smem:$0x3FB1]  }
0x31: {  	[smem:$0x3FBA] =	sst s10  }
0x32: {  	s10 =	sld [smem:$0x3FB8];
	_ =	sdelay $0x3  }
0x33: {  	p0 =	seq.s32 s10, $0x1;
	s10 =	sld [smem:$0x3FBA];
	_ =	sdelay $0x3  }
0x34: {  	[smem:$0x3FBA] =	sst s10  }
0x35: {  	s10 =	sld [smem:$0x3FB9];
	_ =	sdelay $0x3  }
0x36: {  	p1 =	seq.s32 s10, $0x1;
	s10 =	sld [smem:$0x3FBA];
	_ =	sdelay $0x3  }
0x37: {  	[smem:$0x3FBA] =	sst s10  }
0x38: {  	s10 =	sld [smem:$0x3FBB]  }
0x39: {  	_ = 	snop;
	(pc) =	sbr.ind lr, $3  }
0x3a: {  	_ = 	snop  }
0x3b: {  	_ = 	snop  }
0x3c: {  	p2 =	seq.s32 s10, $0x1;
	s10 =	sld [smem:$0x3FBA]  }
0x3d: {  	_ =	shalt  }
0x3e: {  	_ =	shalt  }
0x3f: {  	_ =	shalt  }
0x40: {  	_ =	shalt  }
0x41: {  	_ =	shalt  }
0x42: {  	_ =	shalt  }
0x43: {  	_ =	shalt  }
0x44: {  	_ =	shalt  }
0x45: {  	_ =	shalt  }
0x46: {  	_ =	shalt  }
0x47: {  	_ =	shalt  }
0x48: {  	_ =	shalt  }
0x49: {  	_ =	shalt  }
0x4a: {  	_ =	shalt  }
0x4b: {  	_ =	shalt  }
0x4c: {  	_ =	shalt  }
0x4d: {  	_ =	shalt  }
0x4e: {  	_ =	shalt  }
0x4f: {  	_ =	shalt  }
0x50: {  	_ =	shalt  }
0x51: {  	_ =	shalt  }
0x52: {  	_ =	shalt  }
0x53: {  	_ =	shalt  }
0x54: {  	_ =	shalt  }
0x55: {  	_ =	shalt  }
0x56: {  	_ =	shalt  }
0x57: {  	_ =	shalt  }
0x58: {  	_ =	shalt  }
0x59: {  	_ =	shalt  }
0x5a: {  	_ =	shalt  }
0x5b: {  	_ =	shalt  }
0x5c: {  	_ =	shalt  }
0x5d: {  	_ =	shalt  }
0x5e: {  	_ =	shalt  }
0x5f: {  	_ =	shalt  }
0x60: {  	_ =	shalt  }
0x61: {  	_ =	shalt  }
0x62: {  	_ =	shalt  }
0x63: {  	_ =	shalt  }
0x64: {  	_ =	shalt  }
0x65: {  	_ =	shalt  }
0x66: {  	_ =	shalt  }
0x67: {  	_ =	shalt  }
0x68: {  	_ =	shalt  }
0x69: {  	_ =	shalt  }
0x6a: {  	_ =	shalt  }
0x6b: {  	_ =	shalt  }
0x6c: {  	_ =	shalt  }
0x6d: {  	_ =	shalt  }
0x6e: {  	_ =	shalt  }
0x6f: {  	_ =	shalt  }
0x70: {  	_ =	shalt  }
0x71: {  	_ =	shalt  }
0x72: {  	_ =	shalt  }
0x73: {  	_ =	shalt  }
0x74: {  	_ =	shalt  }
0x75: {  	_ =	shalt  }
0x76: {  	_ =	shalt  }
0x77: {  	_ =	shalt  }
0x78: {  	_ =	shalt  }
0x79: {  	_ =	shalt  }
0x7a: {  	_ =	shalt  }
0x7b: {  	_ =	shalt  }
0x7c: {  	_ =	shalt  }
0x7d: {  	_ =	shalt  }
0x7e: {  	_ =	shalt  }
0x7f: {  	_ =	shalt  }
0x80: {  	_ =	shalt  }
0x81: {  	_ =	shalt  }
0x82: {  	_ =	shalt  }
0x83: {  	_ =	shalt  }
0x84: {  	_ =	shalt  }
0x85: {  	_ =	shalt  }
0x86: {  	_ =	shalt  }
0x87: {  	_ =	shalt  }
.Lfunc_end0:
.L_simem_size_0:
called_computation_lowered:
.L_overlay_start_0:
0x88: {  	s2 =	sld [smem:$0x3FD9]  }
0x89: {  	s3 =	sld [smem:$0x3FFE];
	_ =	sdelay $0x1  }
0x8a: {  	s1 =	srdreg.scid  }
0x8b: {  	s0 =	sand.u32 $0x1, s1  }
0x8c: {  	s16 =	sshll.u32 s0, $0xA;
	s2 =	sadd.s32 s3, s2  }
0x8d: {  	s2 =	sadd.s32 s2, s16  }
0x8e: {  	[smem:$0x3FC6] =	sst s2  }
0x8f: {  	_ = 	snop  }
0x90: {  	(tm) =	ssettm $0x1  }
0x91: {  	s17 =	sld [smem:$0x3FFB];
	_ =	sdelay $0x3  }
0x92: {  	_ =	strace s17  }
0x93: {  	s2 =	sld [smem:$0x3FFC];
	_ =	sdelay $0x3  }
0x94: {  	_ =	strace s2  }
0x95: {  	s2 =	sld [smem:$0x3FFD];
	_ =	sdelay $0x3  }
0x96: {  	_ =	strace s2  }
0x97: {  	_ =	strace $0x8FFFFFFF  }
0x98: {  	s18 =	sld [smem:$0x3FDB];
	_ =	sdelay $0x1  }
0x99: {  	s19 =	simm.s32 $_scs_section_size  }
0x9a: {  	s4 =	simm.s32 $_size__tile_overlayer_lowered;
	s5 =	simm.s32 $_tile_overlayer_lowered  }
0x9b: {  	s22 =	simm.s32 $0x1BFF;
	s21 =	sshll.u32 s5, $0x1;
	s2 =	sadd.s32 s19, s18  }
0x9c: {  	s6 =	simm.s32 $0x0;
	s20 =	sshll.u32 s4, $0x1;
	s4 =	sadd.s32 s21, s2  }
0x9d: {  	[timem:s6], [sflag:s22] =	dma.local [hbm:s4], s20  }
0x9e: {  	_ =	swait.ge [sflag:s22], s20  }
0x9f: {  	s3 =	ssub.s32 $0x0, s20;
	[sflag:s22] =	ssyncset.done $0x0  }
0xa0: {  	[sflag:s22] =	ssyncadd.s32 s3;
	_ =	sdelay $0x1  }
0xa1: {  	s23 =	simm.s32 $0x1B8B  }
0xa2: {  	_ =	swait.ge [sflag:s23], $0x1  }
0xa3: {  	[sflag:s23] =	ssyncset.done $0x0  }
0xa4: {  	s25 =	simm.s32 $0x1B8E;
	s24 =	sld [smem:$0x3FFE];
	[sflag:s23] =	ssyncadd.s32 $0xFFFFFFFF  }
0xa5: {  	s26 =	simm.s32 $execute0_lowered;
	[smem:$0x3FD2] =	sst s25  }
0xa6: {  	s4 =	sshll.u32 s26, $0x1;
	_ =	strace $0x80000046;
	[dreg:$0x1] =	wrdreg $0xFFFFFFFF  }
0xa7: {  	s28 =	simm.s32 $_size_execute0_lowered;
	s2 =	sadd.s32 s2, s4;
	[dreg:$0x0] =	wrdreg $0x0  }
0xa8: {  	s4 =	sshll.u32 s28, $0x1;
	[dreg:$0x2] =	wrdreg s2  }
0xa9: {  	[dreg:$0x3] =	wrdreg s4  }
0xaa: {  	[dreg:$0x4] =	wrdreg $0xC0  }
0xab: {  	_ =	task [dreg:s6], $0x5FFFF  }
0xac: {  	[dreg:$0x1] =	wrdreg $0xFFFFFFFF  }
0xad: {  	[dreg:$0x0] =	wrdreg $0x60  }
0xae: {  	[dreg:$0x2] =	wrdreg s24  }
0xaf: {  	[dreg:$0x3] =	wrdreg $0x9  }
0xb0: {  	_ =	task.clear_ibuf [dreg:s6], $0x4FFFF;
	_ =	strace $0x90000046  }
0xb1: {  	s29 =	simm.s32 $0x9;
	_ =	strace $0x80000048  }
0xb2: {  	_ =	swait.ge [sflag:s29], $0x1  }
0xb3: {  	[sflag:s29] =	ssyncadd.s32 $0xFFFFFFFF  }
0xb4: {  	_ =	strace $0x90000048  }
0xb5: {  	_ =	sfence  }
0xb6: {  	s30 =	sld [smem:$0x0];
	_ =	sdelay $0x2  }
0xb7: {  	s31 =	sshll.u32 s1, $0xD;
	s1 =	sshrl.u32 s1, $0x2  }
0xb8: {  	s3 =	sand.u32 $0x4000, s31;
	s1 =	sadd.s32 s1, s30  }
0xb9: {  	s0 =	sor.u32 s3, s0;
	s1 =	sshll.u32 s1, $0x11  }
0xba: {  	s0 =	sor.u32 s1, s0  }
0xbb: {  	s0 =	sadd.s32 $0x8F2B, s0  }
0xbc: {  	[sflag:s0] =	ssyncadd.remote.s32 $0x1  }
0xbd: {  	_ =	sfence.sel $0xFFFF  }
0xbe: {  	[dreg:$0x0] =	wrdreg $0xFFFFFFFF;
	(pc) =	sbr.abs _section_cstart, $3  }
0xbf: {  	[dreg:$0x1] =	wrdreg $0xFFFFFFFF  }
0xc0: {  	_ =	task.clear_ibuf [dreg:s6], $0x2FFFF;
	_ =	strace $0x9FFFFFFF  }
0xc1: {  	(tm) =	ssettm $0x7FFFFFFF  }
tec
execute0_lowered:
.L_overlay_start_1:
0x0: {  	(tag) =	ssettag $0x1  }
0x1: {  	s2 =	rddreg [dreg:$0x0]  }
0x2: {  	s0 =	rddreg [dreg:$0x1]  }
0x3: {  	s1 =	srdreg.scid;
	_ =	strace $0x80000047;
	s4 =	simm.s32 $0x1  }
0x4: {  	s9 =	simm.s32 $0x3;
	s12 =	simm.s32 $0x0;
	s5 =	sshll.u32 s1, $0x4  }
.Ltmp0:
0x5: {  	s1 =	stileid.u32;
	s5 =	sand.u32 $0x10, s5;
	(pc) =	sbr.rel .LBB2_1-.Ltmp0, $4  }
0x6: {  	s10 =	simm.s32 $0x0;
	s3 =	sadd.s32 $0x400, s2;
	s6 =	sor.u32 s1, s5  }
0x7: {  	[sflag:s4] =	ssyncpa.u1 $0x0;
	s5 =	simm.s32 $0x2;
	s6 =	sshll.u32 s6, $0x7  }
0x8: {  	s7 =	sadd.s32 $0x4E600, s2;
	[sflag:s5] =	ssyncpa.u1 $0x0;
	s8 =	sadd.s32 $0x80, s6  }
0x9: {  	vm0 =	vmmov $0xff;
	vm1 =	vcmask $0x3F20;
	[sflag:s9] =	ssyncpa.u1 $0x0;
	s9 =	simm.s32 $0x80;
	s11 =	smov.u32 s6  }
.LBB2_9:
0xa: {  	p0 =	seq.s32 s10, $0x2  }
.Ltmp1:
0xb: {  	_ = 	snop;
	(pc) =	sbr.rel @p0 .LBB2_11-.Ltmp1, $1  }
0xc: {  	_ =	sdelay $0x3  }
.LBB2_10:
0xd: {  	s12 =	sadd.s32 $0x80, s11  }
0xe: {  	s13 =	smov.u32 s6;
	p0 =	slt.s32 s12, s8  }
0xf: {  	s13 =	smov.u32 @p0 s12  }
0x10: {  	s10 =	sadd.s32 $0x1, s10;
	s12 =	smov.u32 s11;
	s11 =	smov.u32 s13  }
.LBB2_1:
0x11: {  	p0 =	sne.s32 s10, $0x0  }
.Ltmp2:
0x12: {  	_ = 	snop;
	(pc) =	sbr.rel @!p0 .LBB2_2-.Ltmp2, $1  }
0x13: {  	_ =	sdelay $0x3  }
0x14: {  	s13 =	sand.u32 $0x1, s10  }
0x15: {  	p0 =	seq.s32 s13, $0x0  }
.Ltmp3:
0x16: {  	_ = 	snop;
	(pc) =	sbr.rel @p0 .LBB2_9-.Ltmp3, $1  }
0x17: {  	_ =	sdelay $0x3  }
0x18: {  	_ =	swait.ge [sflag:s5], $0x80  }
0x19: {  	[sflag:s5] =	ssyncset.done $0x0  }
0x1a: {  	s13 =	simm.s32 $0x0;
	[sflag:s5] =	ssyncadd.s32 $0xFFFFFF80  }
0x1b: {  	v0 =	vld.msk [tilespmem:s13+$0x80 ss:$0x1], $0xffff;
	_ =	sdelay $0x4  }
0x1c: {  	vm2 =	vgt.s32 v0, $0x0  }
0x1d: {  	v0 =	vnsel vm2, $0x0, v0  }
0x1e: {  	v0 =	vmin.u32 v0, $0x4E1F  }
0x1f: {  	v0 =	vshll.u32 v0, $0x4;
	_ =	sdelay $0x3  }
0x20: {  	s13 =	simm.s32 $0x4100  }
0x21: {  	[tilespmem:s13], [sflag:$0x1] =	stream.indirect_vreg.gather [hbm:s3], $0x80, v0, vm0, $0x38;
	[tilespmem:$0x8100] =	vst v63  }
0x22: {  	s14 =	simm.s32 $0x4500;
	s31 =	simm.s32 $0x10  }
0x23: {  	[tilespmem:s14], [sflag:$0x1] =	stream.indirect_vreg.gather [hbm:s3], $0x80, v0, vm1, $0x38;
	[tilespmem:$0x8100] =	vst v63  }
0x24: {  	s14 =	simm.s32 $0x80;
	v0 =	vld.msk [tilespmem:s31+$0x80 ss:$0x1], $0xffff  }
.LBB2_5:
0x25: {  	p0 =	sne.s32 s14, $0x1C0;
	_ =	sdelay $0x4  }
0x26: {  	vm2 =	vgt.s32 v0, $0x0  }
0x27: {  	v0 =	vnsel vm2, $0x0, v0  }
0x28: {  	v0 =	vmin.u32 v0, $0x4E1F  }
0x29: {  	v0 =	vshll.u32 v0, $0x4;
	_ =	sdelay $0x3  }
.Ltmp4:
0x2a: {  	s13 =	sadd.s32 $0x800, s13;
	(pc) =	sbr.rel @p0 .LBB2_5-.Ltmp4, $4  }
0x2b: {  	[tilespmem:s13], [sflag:$0x1] =	stream.indirect_vreg.gather [hbm:s3], $0x80, v0, vm0, $0x38;
	[tilespmem:$0x8100] =	vst v63  }
0x2c: {  	s15 =	sshra.s32 s14, $0x2;
	s16 =	sadd.s32 $0x400, s13  }
0x2d: {  	[tilespmem:s16], [sflag:$0x1] =	stream.indirect_vreg.gather [hbm:s3], $0x80, v0, vm1, $0x38;
	[tilespmem:$0x8100] =	vst v63  }
0x2e: {  	s14 =	sadd.s32 $0x40, s14;
	v0 =	vld.msk [tilespmem:s15+$0x80 ss:$0x1], $0xffff  }
0x2f: {  	_ =	sdelay $0x3  }
0x30: {  	vm2 =	vgt.s32 v0, $0x0  }
0x31: {  	v0 =	vnsel vm2, $0x0, v0  }
0x32: {  	v0 =	vmin.u32 v0, $0x4E1F  }
0x33: {  	v0 =	vshll.u32 v0, $0x4;
	_ =	sdelay $0x3  }
0x34: {  	s13 =	sadd.s32 $0x800, s13  }
0x35: {  	[tilespmem:s13], [sflag:$0x1] =	stream.indirect_vreg.gather [hbm:s3], $0x80, v0, vm0, $0x38;
	[tilespmem:$0x8100] =	vst v63  }
0x36: {  	s13 =	sadd.s32 $0x400, s13  }
0x37: {  	[tilespmem:s13], [sflag:$0x1] =	stream.indirect_vreg.gather [hbm:s3], $0x80, v0, vm1, $0x38;
	[tilespmem:$0x8100] =	vst v63  }
0x38: {  	s12 =	sshll.u32 s12, $0x4;
	s14 =	simm.s32 $0x80;
	_ =	swait.ge [sflag:s4], $0x4000  }
0x39: {  	s15 =	simm.s32 $0x4500;
	s12 =	sadd.s32 s12, s7;
	[sflag:s4] =	ssyncset.done $0x0  }
0x3a: {  	s16 =	sadd.s32 $0x0, s12;
	s13 =	simm.s32 $0x4100;
	[sflag:s4] =	ssyncadd.s32 $0xFFFFC000  }
.LBB2_7:
0x3b: {  	[hbm:s16] =	stream.linear.scatter [tilespmem:s13], [sflag:$0x3], $0x400, $0x38;
	[tilespmem:$0x8100] =	vst v63  }
0x3c: {  	s16 =	smov.u32 s14;
	s13 =	smov.u32 s15;
	p0 =	sne.s32 s14, $0x780  }
.Ltmp5:
0x3d: {  	s14 =	sadd.s32 $0x80, s14;
	(pc) =	sbr.rel @p0 .LBB2_7-.Ltmp5, $2  }
0x3e: {  	_ =	sdelay $0x2  }
0x3f: {  	s15 =	sadd.s32 $0x400, s15;
	s16 =	sadd.s32 s16, s12  }
.Ltmp6:
0x40: {  	(pc) =	sbr.rel .LBB2_9-.Ltmp6, $2  }
0x41: {  	_ =	sdelay $0x2  }
0x42: {  	[hbm:s16] =	stream.linear.scatter [tilespmem:s13], [sflag:$0x3], $0x400, $0x38;
	[tilespmem:$0x8100] =	vst v63  }
.LBB2_2:
.Ltmp7:
0x43: {  	(pc) =	sbr.rel .LBB2_10-.Ltmp7, $4  }
0x44: {  	_ = 	snop  }
0x45: {  	s12 =	sshrl.u32 s11, $0x3  }
0x46: {  	s13 =	sand.u32 $0x7, s11;
	s12 =	sadd.s32 s2, s12  }
0x47: {  	[tilespmem:s9], [sflag:$0x2] =	stream.linear.gather [hbm4b:s12+s13], $0x80, $0x38;
	[tilespmem:$0x8100] =	vst v63  }
.LBB2_11:
0x48: {  	s2 =	simm.s32 $0x3  }
0x49: {  	_ =	swait.ge [sflag:s2], $0x4000  }
0x4a: {  	[sflag:s2] =	ssyncset.done $0x0  }
0x4b: {  	[sflag:s2] =	ssyncadd.s32 $0xFFFFC000  }
0x4c: {  	_ =	sfence.sel $0x180000  }
0x4d: {  	s3 =	simm.s32 $0x2;
	[bflag:$0x0] =	sbarrier.arrive $0xFFFF  }
0x4e: {  	[sflag:s3] =	ssyncpa.u1 $0x1  }
0x4f: {  	s31 =	simm.s32 $0x1;
	[sflag:s2] =	ssyncpa.u1 $0x1  }
0x50: {  	[sflag:s31] =	ssyncpa.u1 $0x1  }
0x51: {  	p0 =	sne.s32 s1, $0x0;
	_ =	strace $0x90000047  }
0x52: {  	s0 =	sadd.s32 @!p0 $0x100000, s0;
	[bflag:$0x2] =	sbarrier.arrive $0xFFFF  }
0x53: {  	[sflag:s0] =	ssyncadd.tile.s32 @!p0 $0x1;
	_ =	shalt  }
.Lfunc_end2:
_tile_overlayer_lowered:
.L_overlay_start_2:
0x54: {  	(tag) =	ssettag $0x2  }
0x55: {  	s0 =	rddreg [dreg:$0x0];
	s2 =	stileid.u32  }
0x56: {  	s1 =	rddreg [dreg:$0x1];
	p0 =	sne.s32 s2, $0x0  }
0x57: {  	s3 =	rddreg [dreg:$0x2];
	[bflag:$0x3] =	sbarrier.arrive $0xFFFF;
	s2 =	simm.s32 @!p0 $0x1C01  }
0x58: {  	[timem:s3], [sflag:s2] =	dma.local @!p0 [hbm:s0], s1  }
0x59: {  	s0 =	simm.s32 @!p0 $0x1  }
0x5a: {  	_ =	swait.ge @!p0 [sflag:s0], s1  }
0x5b: {  	s1 =	ssub.s32 @!p0 $0x0, s1;
	[sflag:s0] =	ssyncset.done @!p0 $0x0  }
0x5c: {  	[sflag:s0] =	ssyncadd.s32 @!p0 s1  }
0x5d: {  	[bflag:$0x3] =	sbarrier.arrive $0xFFFF  }
0x5e: {  	_ =	shalt  }

</sc_bundles>
